<compile_context>
chip_gen: v7x
topology: tpu7x:2x2x1
jax: 0.10.2.dev20260603
libtpu: 0.0.44.dev20260713+nightly
codegen_flags: <defaults>
</compile_context>

<pallas_src>
import functools

import jax
import jax.numpy as jnp
from jax import lax
from jax.experimental import pallas as pl
from jax.experimental.pallas import tpu as pltpu, tpu_sc as plsc

N = 10000
E = 320000
DF = 128
DE = 16
DG = 32
DEH = 128

NC = 2
NS = 16
NW = NC * NS
EW = E // NW
C = 80
NCHUNK = EW // C
ZCH = (N // C + NS - 1) // NS



def _pre_body(x_ref, ws_ref, wd_ref, u_ref, weu_ref, wnu_ref, be_ref, bn_ref,
              xs_ref, xd_ref, ce_ref, cn_ref):
    x = x_ref[...]
    xs_ref[...] = jnp.dot(x, ws_ref[...], preferred_element_type=jnp.float32)
    xd_ref[...] = jnp.dot(x, wd_ref[...], preferred_element_type=jnp.float32)
    u = u_ref[...]
    ce_ref[...] = jnp.dot(u, weu_ref[...], preferred_element_type=jnp.float32) + be_ref[...]
    cn_ref[...] = jnp.dot(u, wnu_ref[...], preferred_element_type=jnp.float32) + bn_ref[...]


def _ea_body(attr_ref, wea_ref, ce_ref, ea_ref):
    ea_ref[...] = (
        jnp.dot(attr_ref[...], wea_ref[...], preferred_element_type=jnp.float32)
        + ce_ref[...]
    )


def _node_body(x_ref, agg_ref, wnx_ref, wna_ref, cn_ref, out_ref):
    agg = agg_ref[0:N, :] + agg_ref[N:2 * N, :]
    acc = jnp.dot(x_ref[...], wnx_ref[...], preferred_element_type=jnp.float32)
    acc += jnp.dot(agg, wna_ref[...], preferred_element_type=jnp.float32)
    out_ref[...] = jnp.maximum(acc + cn_ref[...], 0.0)



def _sc_edge_body(ea_hbm, src_hbm, dst_hbm, xs_hbm, xd_hbm, out_hbm,
                  srcbuf, dstbuf, m, gs, gd, agg_sh, sem1, sem2):
    cid = lax.axis_index("c")
    sid = lax.axis_index("s")
    wid = cid * NS + sid
    ebase = wid * EW

    zero = jnp.zeros((16,), jnp.float32)

    def zero_m(r, _):
        for j in range(DEH // 16):
            m[r, pl.ds(j * 16, 16)] = zero
        return 0

    lax.fori_loop(0, C, zero_m, 0)

    def zero_agg(i, _):
        k = sid * ZCH + i

        @pl.when(k < N // C)
        def _():
            pltpu.sync_copy(m, agg_sh.at[pl.ds(k * C, C)])
        return 0

    lax.fori_loop(0, ZCH, zero_agg, 0)
    plsc.subcore_barrier()

    def step(i, _):
        off = ebase + i * C
        pltpu.sync_copy(src_hbm.at[pl.ds(off, C)], srcbuf)
        pltpu.sync_copy(dst_hbm.at[pl.ds(off, C)], dstbuf)
        cp1 = pltpu.async_copy(xs_hbm.at[srcbuf], gs, sem1)
        cp2 = pltpu.async_copy(xd_hbm.at[dstbuf], gd, sem2)
        pltpu.sync_copy(ea_hbm.at[pl.ds(off, C)], m)
        cp1.wait()
        cp2.wait()

        def relu_row(r, _):
            for j in range(DEH // 16):
                s = pl.ds(j * 16, 16)
                v = m[r, s] + gs[r, s] + gd[r, s]
                m[r, s] = jnp.maximum(v, 0.0)
            return 0

        lax.fori_loop(0, C, relu_row, 0)
        pltpu.sync_copy(m, agg_sh.at[dstbuf], add=True)
        return 0

    lax.fori_loop(0, NCHUNK, step, 0)
    plsc.subcore_barrier()

    def wb(i, _):
        k = sid * ZCH + i

        @pl.when(k < N // C)
        def _():
            pltpu.sync_copy(agg_sh.at[pl.ds(k * C, C)],
                            out_hbm.at[pl.ds(cid * N + k * C, C)])
        return 0

    lax.fori_loop(0, ZCH, wb, 0)


_sc_edge = functools.partial(
    pl.kernel,
    out_type=jax.ShapeDtypeStruct((2 * N, DEH), jnp.float32),
    mesh=plsc.VectorSubcoreMesh(core_axis_name="c", subcore_axis_name="s"),
    scratch_types=[
        pltpu.VMEM((C,), jnp.int32),
        pltpu.VMEM((C,), jnp.int32),
        pltpu.VMEM((C, DEH), jnp.float32),
        pltpu.VMEM((C, DEH), jnp.float32),
        pltpu.VMEM((C, DEH), jnp.float32),
        pltpu.VMEM_SHARED((N, DEH), jnp.float32),
        pltpu.SemaphoreType.DMA,
        pltpu.SemaphoreType.DMA,
    ],
)(_sc_edge_body)



def kernel(x, edge_index, edge_attr, u, We, be, Wn, bn):
    src = edge_index[0].astype(jnp.int32)
    dst = edge_index[1].astype(jnp.int32)
    u2 = u.reshape(1, DG)
    be2 = be.reshape(1, DEH)
    bn2 = bn.reshape(1, DF)
    wea = We[:DE]
    ws = We[DE:DE + DF]
    wd = We[DE + DF:DE + 2 * DF]
    weu = We[DE + 2 * DF:]
    wnx = Wn[:DF]
    wna = Wn[DF:DF + DEH]
    wnu = Wn[DF + DEH:]

    xs, xd, ce, cn = pl.pallas_call(
        _pre_body,
        out_shape=[
            jax.ShapeDtypeStruct((N, DEH), jnp.float32),
            jax.ShapeDtypeStruct((N, DEH), jnp.float32),
            jax.ShapeDtypeStruct((1, DEH), jnp.float32),
            jax.ShapeDtypeStruct((1, DF), jnp.float32),
        ],
    )(x, ws, wd, u2, weu, wnu, be2, bn2)

    EB = 8000
    ea = pl.pallas_call(
        _ea_body,
        grid=(E // EB,),
        in_specs=[
            pl.BlockSpec((EB, DE), lambda i: (i, 0)),
            pl.BlockSpec((DE, DEH), lambda i: (0, 0)),
            pl.BlockSpec((1, DEH), lambda i: (0, 0)),
        ],
        out_specs=pl.BlockSpec((EB, DEH), lambda i: (i, 0)),
        out_shape=jax.ShapeDtypeStruct((E, DEH), jnp.float32),
    )(edge_attr, wea, ce)

    agg2 = _sc_edge(ea, src, dst, xs, xd)

    nodes = pl.pallas_call(
        _node_body,
        out_shape=jax.ShapeDtypeStruct((N, DF), jnp.float32),
    )(x, agg2, wnx, wna, cn)
    return nodes

# --- scband reference (transcript-rebuilt; emitter-appended) ---
"""Pipeline reference for scband-graph-network-82394652606666 (READ-ONLY COPY).

The authoritative reference and input builder live on the scoring server;
editing this copy changes nothing except your own understanding.
"""

import jax, jax.numpy as jnp
import numpy as np

N = 10000
E = 320000
DF = 128
DE = 16
DG = 32
DEH = 128


def setup_inputs(seed: int = 0) -> dict:
    key = jax.random.key(seed)
    ks = jax.random.split(key, 8)
    x = jax.random.normal(ks[0], (N, DF), dtype=jnp.float32)
    edge_index = jax.random.randint(ks[1], (2, E), 0, N, dtype=jnp.int64)
    edge_attr = jax.random.normal(ks[2], (E, DE), dtype=jnp.float32)
    u = jax.random.normal(ks[3], (DG,), dtype=jnp.float32)
    # EdgeBlock params: input = [edge_attr, x_src, x_dst, u] -> DEH
    We = jax.random.normal(ks[4], (DE + 2 * DF + DG, DEH), dtype=jnp.float32) * 0.05
    be = jnp.zeros((DEH,), dtype=jnp.float32)
    # NodeBlock params: input = [x, agg_edges, u] -> DF
    Wn = jax.random.normal(ks[5], (DF + DEH + DG, DF), dtype=jnp.float32) * 0.05
    bn = jnp.zeros((DF,), dtype=jnp.float32)
    return {"x": x, "edge_index": edge_index, "edge_attr": edge_attr, "u": u,
            "We": We, "be": be, "Wn": Wn, "bn": bn}


def reference(x, edge_index, edge_attr, u, We, be, Wn, bn):
    src = edge_index[0]
    dst = edge_index[1]
    # EdgeBlock: update edge features from [edge_attr, sender node, receiver node, global]
    u_e = jnp.broadcast_to(u[None, :], (edge_attr.shape[0], u.shape[0]))
    e_in = jnp.concatenate([edge_attr, x[src], x[dst], u_e], axis=-1)
    e_out = jax.nn.relu(e_in @ We + be)
    # NodeBlock: aggregate incoming edge messages (scatter-add by dst), update nodes
    agg = jax.ops.segment_sum(e_out, dst, num_segments=x.shape[0])
    u_n = jnp.broadcast_to(u[None, :], (x.shape[0], u.shape[0]))
    n_in = jnp.concatenate([x, agg, u_n], axis=-1)
    nodes = jax.nn.relu(n_in @ Wn + bn)
    return nodes

if __name__ == "__main__":
    import jax
    _d = setup_inputs()
    print(jax.jit(kernel)(*tuple(_d.values())))

</pallas_src>

<mosaic_0001>
#map = affine_map<(d0, d1) -> (0, 0)>
#map1 = affine_map<(d0, d1) -> (0)>
module attributes {stable_mosaic.version = 14 : i64} {
  func.func @_sc_edge_body(%arg0: i32, %arg1: i32, %arg2: memref<320000x128xf32, #tpu.memory_space<hbm>>, %arg3: memref<320000xi32, #tpu.memory_space<hbm>>, %arg4: memref<320000xi32, #tpu.memory_space<hbm>>, %arg5: memref<10000x128xf32, #tpu.memory_space<hbm>>, %arg6: memref<10000x128xf32, #tpu.memory_space<hbm>>, %arg7: memref<20000x128xf32, #tpu.memory_space<hbm>>, %arg8: memref<80xi32, #tpu.memory_space<vmem>>, %arg9: memref<80xi32, #tpu.memory_space<vmem>>, %arg10: memref<80x128xf32, #tpu.memory_space<vmem>>, %arg11: memref<80x128xf32, #tpu.memory_space<vmem>>, %arg12: memref<80x128xf32, #tpu.memory_space<vmem>>, %arg13: memref<10000x128xf32, #tpu.memory_space<vmem_shared>>, %arg14: memref<!tpu.dma_semaphore, #tpu.memory_space<semaphore_mem>>, %arg15: memref<!tpu.dma_semaphore, #tpu.memory_space<semaphore_mem>>) attributes {dimension_semantics = [#tpu.dimension_semantics<core_parallel>, #tpu.dimension_semantics<subcore_parallel>], iteration_bounds = array<i64: 2, 16>, scalar_prefetch = 0 : i64, scratch_operands = 8 : i64, tpu.core_type = #tpu.core_type<sc_vector_subcore>, window_params = [{transform_indices = #map}, {transform_indices = #map1}, {transform_indices = #map1}, {transform_indices = #map}, {transform_indices = #map}, {transform_indices = #map}]} {
    %mul3A = arith.constant 16 : i32
    %mul3A_0 = arith.muli %arg0, %mul3A : i32
    %add3A = arith.addi %mul3A_0, %arg1 : i32
    %mul3A_1 = arith.constant 10000 : i32
    %mul3A_2 = arith.muli %add3A, %mul3A_1 : i32
    %broadcast_in_dim3A = arith.constant 0.000000e+00 : f32
    %broadcast_in_dim3A_3 = vector.broadcast %broadcast_in_dim3A : f32 to vector<16xf32>
    %scan3A = arith.constant 0 : i32
    %scan3A_4 = arith.constant 0 : i32
    %scan3A_5 = arith.constant 80 : i32
    %scan3A_6 = arith.addi %scan3A_4, %scan3A_5 : i32
    %scan3A_7 = arith.constant 1 : i32
    %scan3A_8 = scf.for %scan3A_32 = %scan3A_4 to %scan3A_6 step %scan3A_7 iter_args(%scan3A_33 = %scan3A) -> (i32)  : i32 {
      %swap3A = arith.index_cast %scan3A_32 : i32 to index
      %swap3A_34 = arith.constant 0 : index
      %swap3A_35 = tpu.vector_load %arg10[%swap3A, %swap3A_34] {strides = array<i32>} : memref<80x128xf32, #tpu.memory_space<vmem>>, vector<1x16xf32>,
      %swap3A_36 = vector.shape_cast %swap3A_35 : vector<1x16xf32> to vector<16xf32>
      %swap3A_37 = vector.shape_cast %broadcast_in_dim3A_3 : vector<16xf32> to vector<1x16xf32>
      tpu.vector_store %arg10[%swap3A, %swap3A_34], %swap3A_37 {strides = array<i32>} : memref<80x128xf32, #tpu.memory_space<vmem>>, vector<1x16xf32>,
      %swap3A_38 = arith.index_cast %scan3A_32 : i32 to index
      %swap3A_39 = arith.constant 16 : index
      %swap3A_40 = tpu.vector_load %arg10[%swap3A_38, %swap3A_39] {strides = array<i32>} : memref<80x128xf32, #tpu.memory_space<vmem>>, vector<1x16xf32>,
      %swap3A_41 = vector.shape_cast %swap3A_40 : vector<1x16xf32> to vector<16xf32>
      %swap3A_42 = vector.shape_cast %broadcast_in_dim3A_3 : vector<16xf32> to vector<1x16xf32>
      tpu.vector_store %arg10[%swap3A_38, %swap3A_39], %swap3A_42 {strides = array<i32>} : memref<80x128xf32, #tpu.memory_space<vmem>>, vector<1x16xf32>,
      %swap3A_43 = arith.index_cast %scan3A_32 : i32 to index
      %swap3A_44 = arith.constant 32 : index
      %swap3A_45 = tpu.vector_load %arg10[%swap3A_43, %swap3A_44] {strides = array<i32>} : memref<80x128xf32, #tpu.memory_space<vmem>>, vector<1x16xf32>,
      %swap3A_46 = vector.shape_cast %swap3A_45 : vector<1x16xf32> to vector<16xf32>
      %swap3A_47 = vector.shape_cast %broadcast_in_dim3A_3 : vector<16xf32> to vector<1x16xf32>
      tpu.vector_store %arg10[%swap3A_43, %swap3A_44], %swap3A_47 {strides = array<i32>} : memref<80x128xf32, #tpu.memory_space<vmem>>, vector<1x16xf32>,
      %swap3A_48 = arith.index_cast %scan3A_32 : i32 to index
      %swap3A_49 = arith.constant 48 : index
      %swap3A_50 = tpu.vector_load %arg10[%swap3A_48, %swap3A_49] {strides = array<i32>} : memref<80x128xf32, #tpu.memory_space<vmem>>, vector<1x16xf32>,
      %swap3A_51 = vector.shape_cast %swap3A_50 : vector<1x16xf32> to vector<16xf32>
      %swap3A_52 = vector.shape_cast %broadcast_in_dim3A_3 : vector<16xf32> to vector<1x16xf32>
      tpu.vector_store %arg10[%swap3A_48, %swap3A_49], %swap3A_52 {strides = array<i32>} : memref<80x128xf32, #tpu.memory_space<vmem>>, vector<1x16xf32>,
      %swap3A_53 = arith.index_cast %scan3A_32 : i32 to index
      %swap3A_54 = arith.constant 64 : index
      %swap3A_55 = tpu.vector_load %arg10[%swap3A_53, %swap3A_54] {strides = array<i32>} : memref<80x128xf32, #tpu.memory_space<vmem>>, vector<1x16xf32>,
      %swap3A_56 = vector.shape_cast %swap3A_55 : vector<1x16xf32> to vector<16xf32>
      %swap3A_57 = vector.shape_cast %broadcast_in_dim3A_3 : vector<16xf32> to vector<1x16xf32>
      tpu.vector_store %arg10[%swap3A_53, %swap3A_54], %swap3A_57 {strides = array<i32>} : memref<80x128xf32, #tpu.memory_space<vmem>>, vector<1x16xf32>,
      %swap3A_58 = arith.index_cast %scan3A_32 : i32 to index
      %swap3A_59 = arith.constant 80 : index
      %swap3A_60 = tpu.vector_load %arg10[%swap3A_58, %swap3A_59] {strides = array<i32>} : memref<80x128xf32, #tpu.memory_space<vmem>>, vector<1x16xf32>,
      %swap3A_61 = vector.shape_cast %swap3A_60 : vector<1x16xf32> to vector<16xf32>
      %swap3A_62 = vector.shape_cast %broadcast_in_dim3A_3 : vector<16xf32> to vector<1x16xf32>
      tpu.vector_store %arg10[%swap3A_58, %swap3A_59], %swap3A_62 {strides = array<i32>} : memref<80x128xf32, #tpu.memory_space<vmem>>, vector<1x16xf32>,
      %swap3A_63 = arith.index_cast %scan3A_32 : i32 to index
      %swap3A_64 = arith.constant 96 : index
      %swap3A_65 = tpu.vector_load %arg10[%swap3A_63, %swap3A_64] {strides = array<i32>} : memref<80x128xf32, #tpu.memory_space<vmem>>, vector<1x16xf32>,
      %swap3A_66 = vector.shape_cast %swap3A_65 : vector<1x16xf32> to vector<16xf32>
      %swap3A_67 = vector.shape_cast %broadcast_in_dim3A_3 : vector<16xf32> to vector<1x16xf32>
      tpu.vector_store %arg10[%swap3A_63, %swap3A_64], %swap3A_67 {strides = array<i32>} : memref<80x128xf32, #tpu.memory_space<vmem>>, vector<1x16xf32>,
      %swap3A_68 = arith.index_cast %scan3A_32 : i32 to index
      %swap3A_69 = arith.constant 112 : index
      %swap3A_70 = tpu.vector_load %arg10[%swap3A_68, %swap3A_69] {strides = array<i32>} : memref<80x128xf32, #tpu.memory_space<vmem>>, vector<1x16xf32>,
      %swap3A_71 = vector.shape_cast %swap3A_70 : vector<1x16xf32> to vector<16xf32>
      %swap3A_72 = vector.shape_cast %broadcast_in_dim3A_3 : vector<16xf32> to vector<1x16xf32>
      tpu.vector_store %arg10[%swap3A_68, %swap3A_69], %swap3A_72 {strides = array<i32>} : memref<80x128xf32, #tpu.memory_space<vmem>>, vector<1x16xf32>,
      %scan3A_73 = arith.constant 0 : i32
      scf.yield %scan3A_73 : i32
    }
    %scan3A_9 = arith.constant 80 : i32
    %scan3A_10 = arith.constant 0 : i32
    %scan3A_11 = arith.constant 0 : i32
    %scan3A_12 = arith.constant 8 : i32
    %scan3A_13 = arith.addi %scan3A_11, %scan3A_12 : i32
    %scan3A_14 = arith.constant 1 : i32
    %scan3A_15 = scf.for %scan3A_32 = %scan3A_11 to %scan3A_13 step %scan3A_14 iter_args(%scan3A_33 = %scan3A_10) -> (i32)  : i32 {
      %mul3A_34 = arith.constant 8 : i32
      %mul3A_35 = arith.muli %arg1, %mul3A_34 : i32
      %add3A_36 = arith.addi %mul3A_35, %scan3A_32 : i32
      %lt3A = arith.constant 125 : i32
      %lt3A_37 = arith.cmpi slt, %add3A_36, %lt3A : i32
      %convert_element_type3A = arith.extui %lt3A_37 : i1 to i32
      %cond3A = arith.constant 0 : i32
      %cond3A_38 = arith.cmpi ne, %convert_element_type3A, %cond3A : i32
      scf.if %cond3A_38 {
        %mul3A_40 = arith.constant 80 : i32
        %mul3A_41 = arith.muli %add3A_36, %mul3A_40 : i32
        "tpu.region"() ({
          %run_scoped3A = tpu.sem_alloc : memref<!tpu.dma_semaphore, #tpu.memory_space<semaphore_mem>>
          %dma_start3A = arith.constant 0 : i32
          %dma_start3A_42 = tpu.memref_slice %arg13[%mul3A_41, %dma_start3A] : memref<10000x128xf32, #tpu.memory_space<vmem_shared>> -> memref<80x128xf32, #tpu.memory_space<vmem_shared>>
          %dma_start3A_43 = arith.constant 0 : i32
          %dma_start3A_44 = tpu.memref_slice %arg13[%mul3A_41, %dma_start3A_43] : memref<10000x128xf32, #tpu.memory_space<vmem_shared>> -> memref<80x128xf32, #tpu.memory_space<vmem_shared>>
          tpu.enqueue_dma source(%arg10 : memref<80x128xf32, #tpu.memory_space<vmem>>) target(%dma_start3A_44 : memref<80x128xf32, #tpu.memory_space<vmem_shared>>) target_semaphore(%run_scoped3A : memref<!tpu.dma_semaphore, #tpu.memory_space<semaphore_mem>>)
          %dma_wait3A = arith.constant 0 : i32
          %dma_wait3A_45 = tpu.memref_slice %arg13[%mul3A_41, %dma_wait3A] : memref<10000x128xf32, #tpu.memory_space<vmem_shared>> -> memref<80x128xf32, #tpu.memory_space<vmem_shared>>
          %dma_wait3A_46 = arith.constant 0 : i32
          %dma_wait3A_47 = tpu.memref_slice %arg13[%mul3A_41, %dma_wait3A_46] : memref<10000x128xf32, #tpu.memory_space<vmem_shared>> -> memref<80x128xf32, #tpu.memory_space<vmem_shared>>
          tpu.wait_dma2 semaphore(%run_scoped3A : memref<!tpu.dma_semaphore, #tpu.memory_space<semaphore_mem>>) src(%arg10 : memref<80x128xf32, #tpu.memory_space<vmem>>) dst(%dma_wait3A_47 : memref<80x128xf32, #tpu.memory_space<vmem_shared>>)
          tpu.yield
        }) : () -> ()
      } else {
      }
      %scan3A_39 = arith.constant 0 : i32
      scf.yield %scan3A_39 : i32
    }
    %scan3A_16 = arith.constant 8 : i32
    %barrier3A = arith.constant 0 : index
    tpu.barrier barrier_id(%barrier3A)
    %scan3A_17 = arith.constant 0 : i32
    %scan3A_18 = arith.constant 0 : i32
    %scan3A_19 = arith.constant 125 : i32
    %scan3A_20 = arith.addi %scan3A_18, %scan3A_19 : i32
    %scan3A_21 = arith.constant 1 : i32
    %scan3A_22 = scf.for %scan3A_32 = %scan3A_18 to %scan3A_20 step %scan3A_21 iter_args(%scan3A_33 = %scan3A_17) -> (i32)  : i32 {
      %mul3A_34 = arith.constant 80 : i32
      %mul3A_35 = arith.muli %scan3A_32, %mul3A_34 : i32
      %add3A_36 = arith.addi %mul3A_2, %mul3A_35 : i32
      "tpu.region"() ({
        %run_scoped3A = tpu.sem_alloc : memref<!tpu.dma_semaphore, #tpu.memory_space<semaphore_mem>>
        %dma_start3A_55 = tpu.memref_slice %arg3[%add3A_36] : memref<320000xi32, #tpu.memory_space<hbm>> -> memref<80xi32, #tpu.memory_space<hbm>>
        %dma_start3A_56 = tpu.memref_slice %arg3[%add3A_36] : memref<320000xi32, #tpu.memory_space<hbm>> -> memref<80xi32, #tpu.memory_space<hbm>>
        tpu.enqueue_dma source(%dma_start3A_56 : memref<80xi32, #tpu.memory_space<hbm>>) target(%arg8 : memref<80xi32, #tpu.memory_space<vmem>>) target_semaphore(%run_scoped3A : memref<!tpu.dma_semaphore, #tpu.memory_space<semaphore_mem>>)
        %dma_wait3A_57 = tpu.memref_slice %arg3[%add3A_36] : memref<320000xi32, #tpu.memory_space<hbm>> -> memref<80xi32, #tpu.memory_space<hbm>>
        %dma_wait3A_58 = tpu.memref_slice %arg3[%add3A_36] : memref<320000xi32, #tpu.memory_space<hbm>> -> memref<80xi32, #tpu.memory_space<hbm>>
        tpu.wait_dma2 semaphore(%run_scoped3A : memref<!tpu.dma_semaphore, #tpu.memory_space<semaphore_mem>>) src(%dma_wait3A_58 : memref<80xi32, #tpu.memory_space<hbm>>) dst(%arg8 : memref<80xi32, #tpu.memory_space<vmem>>)
        tpu.yield
      }) : () -> ()
      "tpu.region"() ({
        %run_scoped3A = tpu.sem_alloc : memref<!tpu.dma_semaphore, #tpu.memory_space<semaphore_mem>>
        %dma_start3A_55 = tpu.memref_slice %arg4[%add3A_36] : memref<320000xi32, #tpu.memory_space<hbm>> -> memref<80xi32, #tpu.memory_space<hbm>>
        %dma_start3A_56 = tpu.memref_slice %arg4[%add3A_36] : memref<320000xi32, #tpu.memory_space<hbm>> -> memref<80xi32, #tpu.memory_space<hbm>>
        tpu.enqueue_dma source(%dma_start3A_56 : memref<80xi32, #tpu.memory_space<hbm>>) target(%arg9 : memref<80xi32, #tpu.memory_space<vmem>>) target_semaphore(%run_scoped3A : memref<!tpu.dma_semaphore, #tpu.memory_space<semaphore_mem>>)
        %dma_wait3A_57 = tpu.memref_slice %arg4[%add3A_36] : memref<320000xi32, #tpu.memory_space<hbm>> -> memref<80xi32, #tpu.memory_space<hbm>>
        %dma_wait3A_58 = tpu.memref_slice %arg4[%add3A_36] : memref<320000xi32, #tpu.memory_space<hbm>> -> memref<80xi32, #tpu.memory_space<hbm>>
        tpu.wait_dma2 semaphore(%run_scoped3A : memref<!tpu.dma_semaphore, #tpu.memory_space<semaphore_mem>>) src(%dma_wait3A_58 : memref<80xi32, #tpu.memory_space<hbm>>) dst(%arg9 : memref<80xi32, #tpu.memory_space<vmem>>)
        tpu.yield
      }) : () -> ()
      %dma_start3A = arith.constant 0 : i32
      %dma_start3A_37 = arith.constant 0 : i32
      %dma_start3A_38 = tpu.memref_slice %arg5[%dma_start3A, %dma_start3A_37] : memref<10000x128xf32, #tpu.memory_space<hbm>> -> memref<10000x128xf32, #tpu.memory_space<hbm>>
      tpu.enqueue_indirect_dma source(%dma_start3A_38 : memref<10000x128xf32, #tpu.memory_space<hbm>>) target(%arg11 : memref<80x128xf32, #tpu.memory_space<vmem>>) offsets(%arg8 : memref<80xi32, #tpu.memory_space<vmem>>) semaphore(%arg14 : memref<!tpu.dma_semaphore, #tpu.memory_space<semaphore_mem>>)
      %dma_start3A_39 = arith.constant 0 : i32
      %dma_start3A_40 = arith.constant 0 : i32
      %dma_start3A_41 = tpu.memref_slice %arg6[%dma_start3A_39, %dma_start3A_40] : memref<10000x128xf32, #tpu.memory_space<hbm>> -> memref<10000x128xf32, #tpu.memory_space<hbm>>
      tpu.enqueue_indirect_dma source(%dma_start3A_41 : memref<10000x128xf32, #tpu.memory_space<hbm>>) target(%arg12 : memref<80x128xf32, #tpu.memory_space<vmem>>) offsets(%arg9 : memref<80xi32, #tpu.memory_space<vmem>>) semaphore(%arg15 : memref<!tpu.dma_semaphore, #tpu.memory_space<semaphore_mem>>)
      "tpu.region"() ({
        %run_scoped3A = tpu.sem_alloc : memref<!tpu.dma_semaphore, #tpu.memory_space<semaphore_mem>>
        %dma_start3A_55 = arith.constant 0 : i32
        %dma_start3A_56 = tpu.memref_slice %arg2[%add3A_36, %dma_start3A_55] : memref<320000x128xf32, #tpu.memory_space<hbm>> -> memref<80x128xf32, #tpu.memory_space<hbm>>
        %dma_start3A_57 = arith.constant 0 : i32
        %dma_start3A_58 = tpu.memref_slice %arg2[%add3A_36, %dma_start3A_57] : memref<320000x128xf32, #tpu.memory_space<hbm>> -> memref<80x128xf32, #tpu.memory_space<hbm>>
        tpu.enqueue_dma source(%dma_start3A_58 : memref<80x128xf32, #tpu.memory_space<hbm>>) target(%arg10 : memref<80x128xf32, #tpu.memory_space<vmem>>) target_semaphore(%run_scoped3A : memref<!tpu.dma_semaphore, #tpu.memory_space<semaphore_mem>>)
        %dma_wait3A_59 = arith.constant 0 : i32
        %dma_wait3A_60 = tpu.memref_slice %arg2[%add3A_36, %dma_wait3A_59] : memref<320000x128xf32, #tpu.memory_space<hbm>> -> memref<80x128xf32, #tpu.memory_space<hbm>>
        %dma_wait3A_61 = arith.constant 0 : i32
        %dma_wait3A_62 = tpu.memref_slice %arg2[%add3A_36, %dma_wait3A_61] : memref<320000x128xf32, #tpu.memory_space<hbm>> -> memref<80x128xf32, #tpu.memory_space<hbm>>
        tpu.wait_dma2 semaphore(%run_scoped3A : memref<!tpu.dma_semaphore, #tpu.memory_space<semaphore_mem>>) src(%dma_wait3A_62 : memref<80x128xf32, #tpu.memory_space<hbm>>) dst(%arg10 : memref<80x128xf32, #tpu.memory_space<vmem>>)
        tpu.yield
      }) : () -> ()
      %dma_wait3A = arith.constant 0 : i32
      %dma_wait3A_42 = arith.constant 0 : i32
      %dma_wait3A_43 = tpu.memref_slice %arg5[%dma_wait3A, %dma_wait3A_42] : memref<10000x128xf32, #tpu.memory_space<hbm>> -> memref<10000x128xf32, #tpu.memory_space<hbm>>
      tpu.wait_indirect_dma semaphore(%arg14 : memref<!tpu.dma_semaphore, #tpu.memory_space<semaphore_mem>>) src(%dma_wait3A_43 : memref<10000x128xf32, #tpu.memory_space<hbm>>) dst(%arg11 : memref<80x128xf32, #tpu.memory_space<vmem>>)
      %dma_wait3A_44 = arith.constant 0 : i32
      %dma_wait3A_45 = arith.constant 0 : i32
      %dma_wait3A_46 = tpu.memref_slice %arg6[%dma_wait3A_44, %dma_wait3A_45] : memref<10000x128xf32, #tpu.memory_space<hbm>> -> memref<10000x128xf32, #tpu.memory_space<hbm>>
      tpu.wait_indirect_dma semaphore(%arg15 : memref<!tpu.dma_semaphore, #tpu.memory_space<semaphore_mem>>) src(%dma_wait3A_46 : memref<10000x128xf32, #tpu.memory_space<hbm>>) dst(%arg12 : memref<80x128xf32, #tpu.memory_space<vmem>>)
      %scan3A_47 = arith.constant 0 : i32
      %scan3A_48 = arith.constant 0 : i32
      %scan3A_49 = arith.constant 80 : i32
      %scan3A_50 = arith.addi %scan3A_48, %scan3A_49 : i32
      %scan3A_51 = arith.constant 1 : i32
      %scan3A_52 = scf.for %scan3A_55 = %scan3A_48 to %scan3A_50 step %scan3A_51 iter_args(%scan3A_56 = %scan3A_47) -> (i32)  : i32 {
        %get3A = arith.index_cast %scan3A_55 : i32 to index
        %get3A_57 = arith.constant 0 : index
        %get3A_58 = tpu.vector_load %arg10[%get3A, %get3A_57] {strides = array<i32>} : memref<80x128xf32, #tpu.memory_space<vmem>>, vector<1x16xf32>,
        %get3A_59 = vector.shape_cast %get3A_58 : vector<1x16xf32> to vector<16xf32>
        %get3A_60 = arith.index_cast %scan3A_55 : i32 to index
        %get3A_61 = arith.constant 0 : index
        %get3A_62 = tpu.vector_load %arg11[%get3A_60, %get3A_61] {strides = array<i32>} : memref<80x128xf32, #tpu.memory_space<vmem>>, vector<1x16xf32>,
        %get3A_63 = vector.shape_cast %get3A_62 : vector<1x16xf32> to vector<16xf32>
        %add3A_64 = arith.addf %get3A_59, %get3A_63 : vector<16xf32>
        %get3A_65 = arith.index_cast %scan3A_55 : i32 to index
        %get3A_66 = arith.constant 0 : index
        %get3A_67 = tpu.vector_load %arg12[%get3A_65, %get3A_66] {strides = array<i32>} : memref<80x128xf32, #tpu.memory_space<vmem>>, vector<1x16xf32>,
        %get3A_68 = vector.shape_cast %get3A_67 : vector<1x16xf32> to vector<16xf32>
        %add3A_69 = arith.addf %add3A_64, %get3A_68 : vector<16xf32>
        %max3A = arith.constant 0.000000e+00 : f32
        %max3A_70 = vector.broadcast %max3A : f32 to vector<16xf32>
        %max3A_71 = arith.maximumf %add3A_69, %max3A_70 : vector<16xf32>
        %swap3A = arith.index_cast %scan3A_55 : i32 to index
        %swap3A_72 = arith.constant 0 : index
        %swap3A_73 = tpu.vector_load %arg10[%swap3A, %swap3A_72] {strides = array<i32>} : memref<80x128xf32, #tpu.memory_space<vmem>>, vector<1x16xf32>,
        %swap3A_74 = vector.shape_cast %swap3A_73 : vector<1x16xf32> to vector<16xf32>
        %swap3A_75 = vector.shape_cast %max3A_71 : vector<16xf32> to vector<1x16xf32>
        tpu.vector_store %arg10[%swap3A, %swap3A_72], %swap3A_75 {strides = array<i32>} : memref<80x128xf32, #tpu.memory_space<vmem>>, vector<1x16xf32>,
        %get3A_76 = arith.index_cast %scan3A_55 : i32 to index
        %get3A_77 = arith.constant 16 : index
        %get3A_78 = tpu.vector_load %arg10[%get3A_76, %get3A_77] {strides = array<i32>} : memref<80x128xf32, #tpu.memory_space<vmem>>, vector<1x16xf32>,
        %get3A_79 = vector.shape_cast %get3A_78 : vector<1x16xf32> to vector<16xf32>
        %get3A_80 = arith.index_cast %scan3A_55 : i32 to index
        %get3A_81 = arith.constant 16 : index
        %get3A_82 = tpu.vector_load %arg11[%get3A_80, %get3A_81] {strides = array<i32>} : memref<80x128xf32, #tpu.memory_space<vmem>>, vector<1x16xf32>,
        %get3A_83 = vector.shape_cast %get3A_82 : vector<1x16xf32> to vector<16xf32>
        %add3A_84 = arith.addf %get3A_79, %get3A_83 : vector<16xf32>
        %get3A_85 = arith.index_cast %scan3A_55 : i32 to index
        %get3A_86 = arith.constant 16 : index
        %get3A_87 = tpu.vector_load %arg12[%get3A_85, %get3A_86] {strides = array<i32>} : memref<80x128xf32, #tpu.memory_space<vmem>>, vector<1x16xf32>,
        %get3A_88 = vector.shape_cast %get3A_87 : vector<1x16xf32> to vector<16xf32>
        %add3A_89 = arith.addf %add3A_84, %get3A_88 : vector<16xf32>
        %max3A_90 = arith.constant 0.000000e+00 : f32
        %max3A_91 = vector.broadcast %max3A_90 : f32 to vector<16xf32>
        %max3A_92 = arith.maximumf %add3A_89, %max3A_91 : vector<16xf32>
        %swap3A_93 = arith.index_cast %scan3A_55 : i32 to index
        %swap3A_94 = arith.constant 16 : index
        %swap3A_95 = tpu.vector_load %arg10[%swap3A_93, %swap3A_94] {strides = array<i32>} : memref<80x128xf32, #tpu.memory_space<vmem>>, vector<1x16xf32>,
        %swap3A_96 = vector.shape_cast %swap3A_95 : vector<1x16xf32> to vector<16xf32>
        %swap3A_97 = vector.shape_cast %max3A_92 : vector<16xf32> to vector<1x16xf32>
        tpu.vector_store %arg10[%swap3A_93, %swap3A_94], %swap3A_97 {strides = array<i32>} : memref<80x128xf32, #tpu.memory_space<vmem>>, vector<1x16xf32>,
        %get3A_98 = arith.index_cast %scan3A_55 : i32 to index
        %get3A_99 = arith.constant 32 : index
        %get3A_100 = tpu.vector_load %arg10[%get3A_98, %get3A_99] {strides = array<i32>} : memref<80x128xf32, #tpu.memory_space<vmem>>, vector<1x16xf32>,
        %get3A_101 = vector.shape_cast %get3A_100 : vector<1x16xf32> to vector<16xf32>
        %get3A_102 = arith.index_cast %scan3A_55 : i32 to index
        %get3A_103 = arith.constant 32 : index
        %get3A_104 = tpu.vector_load %arg11[%get3A_102, %get3A_103] {strides = array<i32>} : memref<80x128xf32, #tpu.memory_space<vmem>>, vector<1x16xf32>,
        %get3A_105 = vector.shape_cast %get3A_104 : vector<1x16xf32> to vector<16xf32>
        %add3A_106 = arith.addf %get3A_101, %get3A_105 : vector<16xf32>
        %get3A_107 = arith.index_cast %scan3A_55 : i32 to index
        %get3A_108 = arith.constant 32 : index
        %get3A_109 = tpu.vector_load %arg12[%get3A_107, %get3A_108] {strides = array<i32>} : memref<80x128xf32, #tpu.memory_space<vmem>>, vector<1x16xf32>,
        %get3A_110 = vector.shape_cast %get3A_109 : vector<1x16xf32> to vector<16xf32>
        %add3A_111 = arith.addf %add3A_106, %get3A_110 : vector<16xf32>
        %max3A_112 = arith.constant 0.000000e+00 : f32
        %max3A_113 = vector.broadcast %max3A_112 : f32 to vector<16xf32>
        %max3A_114 = arith.maximumf %add3A_111, %max3A_113 : vector<16xf32>
        %swap3A_115 = arith.index_cast %scan3A_55 : i32 to index
        %swap3A_116 = arith.constant 32 : index
        %swap3A_117 = tpu.vector_load %arg10[%swap3A_115, %swap3A_116] {strides = array<i32>} : memref<80x128xf32, #tpu.memory_space<vmem>>, vector<1x16xf32>,
        %swap3A_118 = vector.shape_cast %swap3A_117 : vector<1x16xf32> to vector<16xf32>
        %swap3A_119 = vector.shape_cast %max3A_114 : vector<16xf32> to vector<1x16xf32>
        tpu.vector_store %arg10[%swap3A_115, %swap3A_116], %swap3A_119 {strides = array<i32>} : memref<80x128xf32, #tpu.memory_space<vmem>>, vector<1x16xf32>,
        %get3A_120 = arith.index_cast %scan3A_55 : i32 to index
        %get3A_121 = arith.constant 48 : index
        %get3A_122 = tpu.vector_load %arg10[%get3A_120, %get3A_121] {strides = array<i32>} : memref<80x128xf32, #tpu.memory_space<vmem>>, vector<1x16xf32>,
        %get3A_123 = vector.shape_cast %get3A_122 : vector<1x16xf32> to vector<16xf32>
        %get3A_124 = arith.index_cast %scan3A_55 : i32 to index
        %get3A_125 = arith.constant 48 : index
        %get3A_126 = tpu.vector_load %arg11[%get3A_124, %get3A_125] {strides = array<i32>} : memref<80x128xf32, #tpu.memory_space<vmem>>, vector<1x16xf32>,
        %get3A_127 = vector.shape_cast %get3A_126 : vector<1x16xf32> to vector<16xf32>
        %add3A_128 = arith.addf %get3A_123, %get3A_127 : vector<16xf32>
        %get3A_129 = arith.index_cast %scan3A_55 : i32 to index
        %get3A_130 = arith.constant 48 : index
        %get3A_131 = tpu.vector_load %arg12[%get3A_129, %get3A_130] {strides = array<i32>} : memref<80x128xf32, #tpu.memory_space<vmem>>, vector<1x16xf32>,
        %get3A_132 = vector.shape_cast %get3A_131 : vector<1x16xf32> to vector<16xf32>
        %add3A_133 = arith.addf %add3A_128, %get3A_132 : vector<16xf32>
        %max3A_134 = arith.constant 0.000000e+00 : f32
        %max3A_135 = vector.broadcast %max3A_134 : f32 to vector<16xf32>
        %max3A_136 = arith.maximumf %add3A_133, %max3A_135 : vector<16xf32>
        %swap3A_137 = arith.index_cast %scan3A_55 : i32 to index
        %swap3A_138 = arith.constant 48 : index
        %swap3A_139 = tpu.vector_load %arg10[%swap3A_137, %swap3A_138] {strides = array<i32>} : memref<80x128xf32, #tpu.memory_space<vmem>>, vector<1x16xf32>,
        %swap3A_140 = vector.shape_cast %swap3A_139 : vector<1x16xf32> to vector<16xf32>
        %swap3A_141 = vector.shape_cast %max3A_136 : vector<16xf32> to vector<1x16xf32>
        tpu.vector_store %arg10[%swap3A_137, %swap3A_138], %swap3A_141 {strides = array<i32>} : memref<80x128xf32, #tpu.memory_space<vmem>>, vector<1x16xf32>,
        %get3A_142 = arith.index_cast %scan3A_55 : i32 to index
        %get3A_143 = arith.constant 64 : index
        %get3A_144 = tpu.vector_load %arg10[%get3A_142, %get3A_143] {strides = array<i32>} : memref<80x128xf32, #tpu.memory_space<vmem>>, vector<1x16xf32>,
        %get3A_145 = vector.shape_cast %get3A_144 : vector<1x16xf32> to vector<16xf32>
        %get3A_146 = arith.index_cast %scan3A_55 : i32 to index
        %get3A_147 = arith.constant 64 : index
        %get3A_148 = tpu.vector_load %arg11[%get3A_146, %get3A_147] {strides = array<i32>} : memref<80x128xf32, #tpu.memory_space<vmem>>, vector<1x16xf32>,
        %get3A_149 = vector.shape_cast %get3A_148 : vector<1x16xf32> to vector<16xf32>
        %add3A_150 = arith.addf %get3A_145, %get3A_149 : vector<16xf32>
        %get3A_151 = arith.index_cast %scan3A_55 : i32 to index
        %get3A_152 = arith.constant 64 : index
        %get3A_153 = tpu.vector_load %arg12[%get3A_151, %get3A_152] {strides = array<i32>} : memref<80x128xf32, #tpu.memory_space<vmem>>, vector<1x16xf32>,
        %get3A_154 = vector.shape_cast %get3A_153 : vector<1x16xf32> to vector<16xf32>
        %add3A_155 = arith.addf %add3A_150, %get3A_154 : vector<16xf32>
        %max3A_156 = arith.constant 0.000000e+00 : f32
        %max3A_157 = vector.broadcast %max3A_156 : f32 to vector<16xf32>
        %max3A_158 = arith.maximumf %add3A_155, %max3A_157 : vector<16xf32>
        %swap3A_159 = arith.index_cast %scan3A_55 : i32 to index
        %swap3A_160 = arith.constant 64 : index
        %swap3A_161 = tpu.vector_load %arg10[%swap3A_159, %swap3A_160] {strides = array<i32>} : memref<80x128xf32, #tpu.memory_space<vmem>>, vector<1x16xf32>,
        %swap3A_162 = vector.shape_cast %swap3A_161 : vector<1x16xf32> to vector<16xf32>
        %swap3A_163 = vector.shape_cast %max3A_158 : vector<16xf32> to vector<1x16xf32>
        tpu.vector_store %arg10[%swap3A_159, %swap3A_160], %swap3A_163 {strides = array<i32>} : memref<80x128xf32, #tpu.memory_space<vmem>>, vector<1x16xf32>,
        %get3A_164 = arith.index_cast %scan3A_55 : i32 to index
        %get3A_165 = arith.constant 80 : index
        %get3A_166 = tpu.vector_load %arg10[%get3A_164, %get3A_165] {strides = array<i32>} : memref<80x128xf32, #tpu.memory_space<vmem>>, vector<1x16xf32>,
        %get3A_167 = vector.shape_cast %get3A_166 : vector<1x16xf32> to vector<16xf32>
        %get3A_168 = arith.index_cast %scan3A_55 : i32 to index
        %get3A_169 = arith.constant 80 : index
        %get3A_170 = tpu.vector_load %arg11[%get3A_168, %get3A_169] {strides = array<i32>} : memref<80x128xf32, #tpu.memory_space<vmem>>, vector<1x16xf32>,
        %get3A_171 = vector.shape_cast %get3A_170 : vector<1x16xf32> to vector<16xf32>
        %add3A_172 = arith.addf %get3A_167, %get3A_171 : vector<16xf32>
        %get3A_173 = arith.index_cast %scan3A_55 : i32 to index
        %get3A_174 = arith.constant 80 : index
        %get3A_175 = tpu.vector_load %arg12[%get3A_173, %get3A_174] {strides = array<i32>} : memref<80x128xf32, #tpu.memory_space<vmem>>, vector<1x16xf32>,
        %get3A_176 = vector.shape_cast %get3A_175 : vector<1x16xf32> to vector<16xf32>
        %add3A_177 = arith.addf %add3A_172, %get3A_176 : vector<16xf32>
        %max3A_178 = arith.constant 0.000000e+00 : f32
        %max3A_179 = vector.broadcast %max3A_178 : f32 to vector<16xf32>
        %max3A_180 = arith.maximumf %add3A_177, %max3A_179 : vector<16xf32>
        %swap3A_181 = arith.index_cast %scan3A_55 : i32 to index
        %swap3A_182 = arith.constant 80 : index
        %swap3A_183 = tpu.vector_load %arg10[%swap3A_181, %swap3A_182] {strides = array<i32>} : memref<80x128xf32, #tpu.memory_space<vmem>>, vector<1x16xf32>,
        %swap3A_184 = vector.shape_cast %swap3A_183 : vector<1x16xf32> to vector<16xf32>
        %swap3A_185 = vector.shape_cast %max3A_180 : vector<16xf32> to vector<1x16xf32>
        tpu.vector_store %arg10[%swap3A_181, %swap3A_182], %swap3A_185 {strides = array<i32>} : memref<80x128xf32, #tpu.memory_space<vmem>>, vector<1x16xf32>,
        %get3A_186 = arith.index_cast %scan3A_55 : i32 to index
        %get3A_187 = arith.constant 96 : index
        %get3A_188 = tpu.vector_load %arg10[%get3A_186, %get3A_187] {strides = array<i32>} : memref<80x128xf32, #tpu.memory_space<vmem>>, vector<1x16xf32>,
        %get3A_189 = vector.shape_cast %get3A_188 : vector<1x16xf32> to vector<16xf32>
        %get3A_190 = arith.index_cast %scan3A_55 : i32 to index
        %get3A_191 = arith.constant 96 : index
        %get3A_192 = tpu.vector_load %arg11[%get3A_190, %get3A_191] {strides = array<i32>} : memref<80x128xf32, #tpu.memory_space<vmem>>, vector<1x16xf32>,
        %get3A_193 = vector.shape_cast %get3A_192 : vector<1x16xf32> to vector<16xf32>
        %add3A_194 = arith.addf %get3A_189, %get3A_193 : vector<16xf32>
        %get3A_195 = arith.index_cast %scan3A_55 : i32 to index
        %get3A_196 = arith.constant 96 : index
        %get3A_197 = tpu.vector_load %arg12[%get3A_195, %get3A_196] {strides = array<i32>} : memref<80x128xf32, #tpu.memory_space<vmem>>, vector<1x16xf32>,
        %get3A_198 = vector.shape_cast %get3A_197 : vector<1x16xf32> to vector<16xf32>
        %add3A_199 = arith.addf %add3A_194, %get3A_198 : vector<16xf32>
        %max3A_200 = arith.constant 0.000000e+00 : f32
        %max3A_201 = vector.broadcast %max3A_200 : f32 to vector<16xf32>
        %max3A_202 = arith.maximumf %add3A_199, %max3A_201 : vector<16xf32>
        %swap3A_203 = arith.index_cast %scan3A_55 : i32 to index
        %swap3A_204 = arith.constant 96 : index
        %swap3A_205 = tpu.vector_load %arg10[%swap3A_203, %swap3A_204] {strides = array<i32>} : memref<80x128xf32, #tpu.memory_space<vmem>>, vector<1x16xf32>,
        %swap3A_206 = vector.shape_cast %swap3A_205 : vector<1x16xf32> to vector<16xf32>
        %swap3A_207 = vector.shape_cast %max3A_202 : vector<16xf32> to vector<1x16xf32>
        tpu.vector_store %arg10[%swap3A_203, %swap3A_204], %swap3A_207 {strides = array<i32>} : memref<80x128xf32, #tpu.memory_space<vmem>>, vector<1x16xf32>,
        %get3A_208 = arith.index_cast %scan3A_55 : i32 to index
        %get3A_209 = arith.constant 112 : index
        %get3A_210 = tpu.vector_load %arg10[%get3A_208, %get3A_209] {strides = array<i32>} : memref<80x128xf32, #tpu.memory_space<vmem>>, vector<1x16xf32>,
        %get3A_211 = vector.shape_cast %get3A_210 : vector<1x16xf32> to vector<16xf32>
        %get3A_212 = arith.index_cast %scan3A_55 : i32 to index
        %get3A_213 = arith.constant 112 : index
        %get3A_214 = tpu.vector_load %arg11[%get3A_212, %get3A_213] {strides = array<i32>} : memref<80x128xf32, #tpu.memory_space<vmem>>, vector<1x16xf32>,
        %get3A_215 = vector.shape_cast %get3A_214 : vector<1x16xf32> to vector<16xf32>
        %add3A_216 = arith.addf %get3A_211, %get3A_215 : vector<16xf32>
        %get3A_217 = arith.index_cast %scan3A_55 : i32 to index
        %get3A_218 = arith.constant 112 : index
        %get3A_219 = tpu.vector_load %arg12[%get3A_217, %get3A_218] {strides = array<i32>} : memref<80x128xf32, #tpu.memory_space<vmem>>, vector<1x16xf32>,
        %get3A_220 = vector.shape_cast %get3A_219 : vector<1x16xf32> to vector<16xf32>
        %add3A_221 = arith.addf %add3A_216, %get3A_220 : vector<16xf32>
        %max3A_222 = arith.constant 0.000000e+00 : f32
        %max3A_223 = vector.broadcast %max3A_222 : f32 to vector<16xf32>
        %max3A_224 = arith.maximumf %add3A_221, %max3A_223 : vector<16xf32>
        %swap3A_225 = arith.index_cast %scan3A_55 : i32 to index
        %swap3A_226 = arith.constant 112 : index
        %swap3A_227 = tpu.vector_load %arg10[%swap3A_225, %swap3A_226] {strides = array<i32>} : memref<80x128xf32, #tpu.memory_space<vmem>>, vector<1x16xf32>,
        %swap3A_228 = vector.shape_cast %swap3A_227 : vector<1x16xf32> to vector<16xf32>
        %swap3A_229 = vector.shape_cast %max3A_224 : vector<16xf32> to vector<1x16xf32>
        tpu.vector_store %arg10[%swap3A_225, %swap3A_226], %swap3A_229 {strides = array<i32>} : memref<80x128xf32, #tpu.memory_space<vmem>>, vector<1x16xf32>,
        %scan3A_230 = arith.constant 0 : i32
        scf.yield %scan3A_230 : i32
      }
      %scan3A_53 = arith.constant 80 : i32
      "tpu.region"() ({
        %run_scoped3A = tpu.sem_alloc : memref<!tpu.dma_semaphore, #tpu.memory_space<semaphore_mem>>
        %dma_start3A_55 = arith.constant 0 : i32
        %dma_start3A_56 = arith.constant 0 : i32
        %dma_start3A_57 = tpu.memref_slice %arg13[%dma_start3A_55, %dma_start3A_56] : memref<10000x128xf32, #tpu.memory_space<vmem_shared>> -> memref<10000x128xf32, #tpu.memory_space<vmem_shared>>
        tpu.enqueue_indirect_dma source(%arg10 : memref<80x128xf32, #tpu.memory_space<vmem>>) target(%dma_start3A_57 : memref<10000x128xf32, #tpu.memory_space<vmem_shared>>) offsets(%arg9 : memref<80xi32, #tpu.memory_space<vmem>>) semaphore(%run_scoped3A : memref<!tpu.dma_semaphore, #tpu.memory_space<semaphore_mem>>) {add = true}
        %dma_wait3A_58 = arith.constant 0 : i32
        %dma_wait3A_59 = arith.constant 0 : i32
        %dma_wait3A_60 = tpu.memref_slice %arg13[%dma_wait3A_58, %dma_wait3A_59] : memref<10000x128xf32, #tpu.memory_space<vmem_shared>> -> memref<10000x128xf32, #tpu.memory_space<vmem_shared>>
        tpu.wait_indirect_dma semaphore(%run_scoped3A : memref<!tpu.dma_semaphore, #tpu.memory_space<semaphore_mem>>) src(%arg10 : memref<80x128xf32, #tpu.memory_space<vmem>>) dst(%dma_wait3A_60 : memref<10000x128xf32, #tpu.memory_space<vmem_shared>>)
        tpu.yield
      }) : () -> ()
      %scan3A_54 = arith.constant 0 : i32
      scf.yield %scan3A_54 : i32
    }
    %scan3A_23 = arith.constant 125 : i32
    %barrier3A_24 = arith.constant 0 : index
    tpu.barrier barrier_id(%barrier3A_24)
    %scan3A_25 = arith.constant 0 : i32
    %scan3A_26 = arith.constant 0 : i32
    %scan3A_27 = arith.constant 8 : i32
    %scan3A_28 = arith.addi %scan3A_26, %scan3A_27 : i32
    %scan3A_29 = arith.constant 1 : i32
    %scan3A_30 = scf.for %scan3A_32 = %scan3A_26 to %scan3A_28 step %scan3A_29 iter_args(%scan3A_33 = %scan3A_25) -> (i32)  : i32 {
      %mul3A_34 = arith.constant 8 : i32
      %mul3A_35 = arith.muli %arg1, %mul3A_34 : i32
      %add3A_36 = arith.addi %mul3A_35, %scan3A_32 : i32
      %lt3A = arith.constant 125 : i32
      %lt3A_37 = arith.cmpi slt, %add3A_36, %lt3A : i32
      %convert_element_type3A = arith.extui %lt3A_37 : i1 to i32
      %cond3A = arith.constant 0 : i32
      %cond3A_38 = arith.cmpi ne, %convert_element_type3A, %cond3A : i32
      scf.if %cond3A_38 {
        %mul3A_40 = arith.constant 80 : i32
        %mul3A_41 = arith.muli %add3A_36, %mul3A_40 : i32
        %mul3A_42 = arith.constant 10000 : i32
        %mul3A_43 = arith.muli %arg0, %mul3A_42 : i32
        %mul3A_44 = arith.constant 80 : i32
        %mul3A_45 = arith.muli %add3A_36, %mul3A_44 : i32
        %add3A_46 = arith.addi %mul3A_43, %mul3A_45 : i32
        "tpu.region"() ({
          %run_scoped3A = tpu.sem_alloc : memref<!tpu.dma_semaphore, #tpu.memory_space<semaphore_mem>>
          %dma_start3A = arith.constant 0 : i32
          %dma_start3A_47 = tpu.memref_slice %arg7[%add3A_46, %dma_start3A] : memref<20000x128xf32, #tpu.memory_space<hbm>> -> memref<80x128xf32, #tpu.memory_space<hbm>>
          %dma_start3A_48 = arith.constant 0 : i32
          %dma_start3A_49 = tpu.memref_slice %arg13[%mul3A_41, %dma_start3A_48] : memref<10000x128xf32, #tpu.memory_space<vmem_shared>> -> memref<80x128xf32, #tpu.memory_space<vmem_shared>>
          tpu.enqueue_dma source(%dma_start3A_49 : memref<80x128xf32, #tpu.memory_space<vmem_shared>>) target(%dma_start3A_47 : memref<80x128xf32, #tpu.memory_space<hbm>>) target_semaphore(%run_scoped3A : memref<!tpu.dma_semaphore, #tpu.memory_space<semaphore_mem>>)
          %dma_wait3A = arith.constant 0 : i32
          %dma_wait3A_50 = tpu.memref_slice %arg7[%add3A_46, %dma_wait3A] : memref<20000x128xf32, #tpu.memory_space<hbm>> -> memref<80x128xf32, #tpu.memory_space<hbm>>
          %dma_wait3A_51 = arith.constant 0 : i32
          %dma_wait3A_52 = tpu.memref_slice %arg13[%mul3A_41, %dma_wait3A_51] : memref<10000x128xf32, #tpu.memory_space<vmem_shared>> -> memref<80x128xf32, #tpu.memory_space<vmem_shared>>
          tpu.wait_dma2 semaphore(%run_scoped3A : memref<!tpu.dma_semaphore, #tpu.memory_space<semaphore_mem>>) src(%dma_wait3A_52 : memref<80x128xf32, #tpu.memory_space<vmem_shared>>) dst(%dma_wait3A_50 : memref<80x128xf32, #tpu.memory_space<hbm>>)
          tpu.yield
        }) : () -> ()
      } else {
      }
      %scan3A_39 = arith.constant 0 : i32
      scf.yield %scan3A_39 : i32
    }
    %scan3A_31 = arith.constant 8 : i32
    return
  }
}

module attributes {stable_mosaic.version = 14 : i64} {
  func.func @_pre_body(%arg0: memref<10000x128xf32, #tpu.memory_space<vmem>>, %arg1: memref<128x128xf32, #tpu.memory_space<vmem>>, %arg2: memref<128x128xf32, #tpu.memory_space<vmem>>, %arg3: memref<1x32xf32, #tpu.memory_space<vmem>>, %arg4: memref<32x128xf32, #tpu.memory_space<vmem>>, %arg5: memref<32x128xf32, #tpu.memory_space<vmem>>, %arg6: memref<1x128xf32, #tpu.memory_space<vmem>>, %arg7: memref<1x128xf32, #tpu.memory_space<vmem>>, %arg8: memref<10000x128xf32, #tpu.memory_space<vmem>>, %arg9: memref<10000x128xf32, #tpu.memory_space<vmem>>, %arg10: memref<1x128xf32, #tpu.memory_space<vmem>>, %arg11: memref<1x128xf32, #tpu.memory_space<vmem>>) attributes {dimension_semantics = [], scalar_prefetch = 0 : i64, scratch_operands = 0 : i64, tpu.core_type = #tpu.core_type<tc>} {
    %get3A = arith.constant 0 : index
    %get3A_0 = arith.constant 0 : index
    %get3A_1 = vector.load %arg0[%get3A, %get3A_0] : memref<10000x128xf32, #tpu.memory_space<vmem>>, vector<10000x128xf32>
    %get3A_2 = arith.constant 0 : index
    %get3A_3 = arith.constant 0 : index
    %get3A_4 = vector.load %arg1[%get3A_2, %get3A_3] : memref<128x128xf32, #tpu.memory_space<vmem>>, vector<128x128xf32>
    %dot_general3A = arith.constant dense<0.000000e+00> : vector<10000x128xf32>
    %dot_general3A_5 = tpu.matmul %get3A_1, %get3A_4, %dot_general3A {dimension_numbers = #tpu.dot_dimension_numbers<[1], [0], [0], [1], [0, 0, 1, 1], [], []>, transpose_lhs_hint = false} : vector<10000x128xf32>, vector<128x128xf32>, vector<10000x128xf32> -> vector<10000x128xf32>
    %swap3A = arith.constant 0 : index
    %swap3A_6 = arith.constant 0 : index
    %swap3A_7 = vector.load %arg8[%swap3A, %swap3A_6] : memref<10000x128xf32, #tpu.memory_space<vmem>>, vector<10000x128xf32>
    tpu.vector_store %arg8[%swap3A, %swap3A_6], %dot_general3A_5 {strides = array<i32>} : memref<10000x128xf32, #tpu.memory_space<vmem>>, vector<10000x128xf32>,
    %get3A_8 = arith.constant 0 : index
    %get3A_9 = arith.constant 0 : index
    %get3A_10 = vector.load %arg2[%get3A_8, %get3A_9] : memref<128x128xf32, #tpu.memory_space<vmem>>, vector<128x128xf32>
    %dot_general3A_11 = arith.constant dense<0.000000e+00> : vector<10000x128xf32>
    %dot_general3A_12 = tpu.matmul %get3A_1, %get3A_10, %dot_general3A_11 {dimension_numbers = #tpu.dot_dimension_numbers<[1], [0], [0], [1], [0, 0, 1, 1], [], []>, transpose_lhs_hint = false} : vector<10000x128xf32>, vector<128x128xf32>, vector<10000x128xf32> -> vector<10000x128xf32>
    %swap3A_13 = arith.constant 0 : index
    %swap3A_14 = arith.constant 0 : index
    %swap3A_15 = vector.load %arg9[%swap3A_13, %swap3A_14] : memref<10000x128xf32, #tpu.memory_space<vmem>>, vector<10000x128xf32>
    tpu.vector_store %arg9[%swap3A_13, %swap3A_14], %dot_general3A_12 {strides = array<i32>} : memref<10000x128xf32, #tpu.memory_space<vmem>>, vector<10000x128xf32>,
    %get3A_16 = arith.constant 0 : index
    %get3A_17 = arith.constant 0 : index
    %get3A_18 = vector.load %arg3[%get3A_16, %get3A_17] : memref<1x32xf32, #tpu.memory_space<vmem>>, vector<1x32xf32>
    %get3A_19 = arith.constant 0 : index
    %get3A_20 = arith.constant 0 : index
    %get3A_21 = vector.load %arg4[%get3A_19, %get3A_20] : memref<32x128xf32, #tpu.memory_space<vmem>>, vector<32x128xf32>
    %dot_general3A_22 = arith.constant dense<0.000000e+00> : vector<1x128xf32>
    %dot_general3A_23 = tpu.matmul %get3A_18, %get3A_21, %dot_general3A_22 {dimension_numbers = #tpu.dot_dimension_numbers<[1], [0], [0], [1], [0, 0, 1, 1], [], []>, transpose_lhs_hint = false} : vector<1x32xf32>, vector<32x128xf32>, vector<1x128xf32> -> vector<1x128xf32>
    %get3A_24 = arith.constant 0 : index
    %get3A_25 = arith.constant 0 : index
    %get3A_26 = vector.load %arg6[%get3A_24, %get3A_25] : memref<1x128xf32, #tpu.memory_space<vmem>>, vector<1x128xf32>
    %add3A = arith.addf %dot_general3A_23, %get3A_26 : vector<1x128xf32>
    %swap3A_27 = arith.constant 0 : index
    %swap3A_28 = arith.constant 0 : index
    %swap3A_29 = vector.load %arg10[%swap3A_27, %swap3A_28] : memref<1x128xf32, #tpu.memory_space<vmem>>, vector<1x128xf32>
    tpu.vector_store %arg10[%swap3A_27, %swap3A_28], %add3A {strides = array<i32>} : memref<1x128xf32, #tpu.memory_space<vmem>>, vector<1x128xf32>,
    %get3A_30 = arith.constant 0 : index
    %get3A_31 = arith.constant 0 : index
    %get3A_32 = vector.load %arg5[%get3A_30, %get3A_31] : memref<32x128xf32, #tpu.memory_space<vmem>>, vector<32x128xf32>
    %dot_general3A_33 = arith.constant dense<0.000000e+00> : vector<1x128xf32>
    %dot_general3A_34 = tpu.matmul %get3A_18, %get3A_32, %dot_general3A_33 {dimension_numbers = #tpu.dot_dimension_numbers<[1], [0], [0], [1], [0, 0, 1, 1], [], []>, transpose_lhs_hint = false} : vector<1x32xf32>, vector<32x128xf32>, vector<1x128xf32> -> vector<1x128xf32>
    %get3A_35 = arith.constant 0 : index
    %get3A_36 = arith.constant 0 : index
    %get3A_37 = vector.load %arg7[%get3A_35, %get3A_36] : memref<1x128xf32, #tpu.memory_space<vmem>>, vector<1x128xf32>
    %add3A_38 = arith.addf %dot_general3A_34, %get3A_37 : vector<1x128xf32>
    %swap3A_39 = arith.constant 0 : index
    %swap3A_40 = arith.constant 0 : index
    %swap3A_41 = vector.load %arg11[%swap3A_39, %swap3A_40] : memref<1x128xf32, #tpu.memory_space<vmem>>, vector<1x128xf32>
    tpu.vector_store %arg11[%swap3A_39, %swap3A_40], %add3A_38 {strides = array<i32>} : memref<1x128xf32, #tpu.memory_space<vmem>>, vector<1x128xf32>,
    return
  }
}

module attributes {stable_mosaic.version = 14 : i64} {
  func.func @_ea_body(%arg0: i32, %arg1: memref<8000x16xf32, #tpu.memory_space<vmem>>, %arg2: memref<16x128xf32, #tpu.memory_space<vmem>>, %arg3: memref<1x128xf32, #tpu.memory_space<vmem>>, %arg4: memref<8000x128xf32, #tpu.memory_space<vmem>>) attributes {dimension_semantics = [#tpu.dimension_semantics<arbitrary>], iteration_bounds = array<i64: 40>, scalar_prefetch = 0 : i64, scratch_operands = 0 : i64, tpu.core_type = #tpu.core_type<tc>, window_params = [{transform_indices = @transform_0, window_bounds = array<i64: 8000, 16>}, {pipeline_mode = #tpu.pipeline_mode<synchronous>, transform_indices = @transform_1, window_bounds = array<i64: 16, 128>}, {pipeline_mode = #tpu.pipeline_mode<synchronous>, transform_indices = @transform_2, window_bounds = array<i64: 1, 128>}, {transform_indices = @transform_3, window_bounds = array<i64: 8000, 128>}]} {
    %get3A = arith.constant 0 : index
    %get3A_0 = arith.constant 0 : index
    %get3A_1 = vector.load %arg1[%get3A, %get3A_0] : memref<8000x16xf32, #tpu.memory_space<vmem>>, vector<8000x16xf32>
    %get3A_2 = arith.constant 0 : index
    %get3A_3 = arith.constant 0 : index
    %get3A_4 = vector.load %arg2[%get3A_2, %get3A_3] : memref<16x128xf32, #tpu.memory_space<vmem>>, vector<16x128xf32>
    %dot_general3A = arith.constant dense<0.000000e+00> : vector<8000x128xf32>
    %dot_general3A_5 = tpu.matmul %get3A_1, %get3A_4, %dot_general3A {dimension_numbers = #tpu.dot_dimension_numbers<[1], [0], [0], [1], [0, 0, 1, 1], [], []>, transpose_lhs_hint = false} : vector<8000x16xf32>, vector<16x128xf32>, vector<8000x128xf32> -> vector<8000x128xf32>
    %get3A_6 = arith.constant 0 : index
    %get3A_7 = arith.constant 0 : index
    %get3A_8 = vector.load %arg3[%get3A_6, %get3A_7] : memref<1x128xf32, #tpu.memory_space<vmem>>, vector<1x128xf32>
    %add3A = vector.broadcast %get3A_8 : vector<1x128xf32> to vector<8000x128xf32>
    %add3A_9 = arith.addf %dot_general3A_5, %add3A : vector<8000x128xf32>
    %swap3A = arith.constant 0 : index
    %swap3A_10 = arith.constant 0 : index
    %swap3A_11 = vector.load %arg4[%swap3A, %swap3A_10] : memref<8000x128xf32, #tpu.memory_space<vmem>>, vector<8000x128xf32>
    tpu.vector_store %arg4[%swap3A, %swap3A_10], %add3A_9 {strides = array<i32>} : memref<8000x128xf32, #tpu.memory_space<vmem>>, vector<8000x128xf32>,
    return
  }
  func.func @transform_0(%arg0: i32) -> (i32, i32) {
    %c0_i32 = arith.constant 0 : i32
    %c0_i32_0 = arith.constant 0 : i32
    return %arg0, %c0_i32 : i32, i32
  }
  func.func @transform_1(%arg0: i32) -> (i32, i32) {
    %c0_i32 = arith.constant 0 : i32
    %c0_i32_0 = arith.constant 0 : i32
    %c0_i32_1 = arith.constant 0 : i32
    return %c0_i32, %c0_i32_0 : i32, i32
  }
  func.func @transform_2(%arg0: i32) -> (i32, i32) {
    %c0_i32 = arith.constant 0 : i32
    %c0_i32_0 = arith.constant 0 : i32
    %c0_i32_1 = arith.constant 0 : i32
    return %c0_i32, %c0_i32_0 : i32, i32
  }
  func.func @transform_3(%arg0: i32) -> (i32, i32) {
    %c0_i32 = arith.constant 0 : i32
    %c0_i32_0 = arith.constant 0 : i32
    return %arg0, %c0_i32 : i32, i32
  }
}

module attributes {stable_mosaic.version = 14 : i64} {
  func.func @_node_body(%arg0: memref<10000x128xf32, #tpu.memory_space<vmem>>, %arg1: memref<20000x128xf32, #tpu.memory_space<vmem>>, %arg2: memref<128x128xf32, #tpu.memory_space<vmem>>, %arg3: memref<128x128xf32, #tpu.memory_space<vmem>>, %arg4: memref<1x128xf32, #tpu.memory_space<vmem>>, %arg5: memref<10000x128xf32, #tpu.memory_space<vmem>>) attributes {dimension_semantics = [], scalar_prefetch = 0 : i64, scratch_operands = 0 : i64, tpu.core_type = #tpu.core_type<tc>} {
    %get3A = arith.constant 0 : index
    %get3A_0 = arith.constant 0 : index
    %get3A_1 = vector.load %arg1[%get3A, %get3A_0] : memref<20000x128xf32, #tpu.memory_space<vmem>>, vector<10000x128xf32>
    %get3A_2 = arith.constant 10000 : index
    %get3A_3 = arith.constant 0 : index
    %get3A_4 = vector.load %arg1[%get3A_2, %get3A_3] : memref<20000x128xf32, #tpu.memory_space<vmem>>, vector<10000x128xf32>
    %add3A = arith.addf %get3A_1, %get3A_4 : vector<10000x128xf32>
    %get3A_5 = arith.constant 0 : index
    %get3A_6 = arith.constant 0 : index
    %get3A_7 = vector.load %arg0[%get3A_5, %get3A_6] : memref<10000x128xf32, #tpu.memory_space<vmem>>, vector<10000x128xf32>
    %get3A_8 = arith.constant 0 : index
    %get3A_9 = arith.constant 0 : index
    %get3A_10 = vector.load %arg2[%get3A_8, %get3A_9] : memref<128x128xf32, #tpu.memory_space<vmem>>, vector<128x128xf32>
    %dot_general3A = arith.constant dense<0.000000e+00> : vector<10000x128xf32>
    %dot_general3A_11 = tpu.matmul %get3A_7, %get3A_10, %dot_general3A {dimension_numbers = #tpu.dot_dimension_numbers<[1], [0], [0], [1], [0, 0, 1, 1], [], []>, transpose_lhs_hint = false} : vector<10000x128xf32>, vector<128x128xf32>, vector<10000x128xf32> -> vector<10000x128xf32>
    %get3A_12 = arith.constant 0 : index
    %get3A_13 = arith.constant 0 : index
    %get3A_14 = vector.load %arg3[%get3A_12, %get3A_13] : memref<128x128xf32, #tpu.memory_space<vmem>>, vector<128x128xf32>
    %dot_general3A_15 = arith.constant dense<0.000000e+00> : vector<10000x128xf32>
    %dot_general3A_16 = tpu.matmul %add3A, %get3A_14, %dot_general3A_15 {dimension_numbers = #tpu.dot_dimension_numbers<[1], [0], [0], [1], [0, 0, 1, 1], [], []>, transpose_lhs_hint = false} : vector<10000x128xf32>, vector<128x128xf32>, vector<10000x128xf32> -> vector<10000x128xf32>
    %add3A_17 = arith.addf %dot_general3A_11, %dot_general3A_16 : vector<10000x128xf32>
    %get3A_18 = arith.constant 0 : index
    %get3A_19 = arith.constant 0 : index
    %get3A_20 = vector.load %arg4[%get3A_18, %get3A_19] : memref<1x128xf32, #tpu.memory_space<vmem>>, vector<1x128xf32>
    %add3A_21 = vector.broadcast %get3A_20 : vector<1x128xf32> to vector<10000x128xf32>
    %add3A_22 = arith.addf %add3A_17, %add3A_21 : vector<10000x128xf32>
    %max3A = arith.constant 0.000000e+00 : f32
    %max3A_23 = vector.broadcast %max3A : f32 to vector<10000x128xf32>
    %max3A_24 = arith.maximumf %add3A_22, %max3A_23 : vector<10000x128xf32>
    %swap3A = arith.constant 0 : index
    %swap3A_25 = arith.constant 0 : index
    %swap3A_26 = vector.load %arg5[%swap3A, %swap3A_25] : memref<10000x128xf32, #tpu.memory_space<vmem>>, vector<10000x128xf32>
    tpu.vector_store %arg5[%swap3A, %swap3A_25], %max3A_24 {strides = array<i32>} : memref<10000x128xf32, #tpu.memory_space<vmem>>, vector<10000x128xf32>,
    return
  }
}

</mosaic_0001>

<sc_bundles>
// kernel: kernel.6.cloned.1.call-start
scs
__scs_entry_jumppad:
0x0: {  	(pc) =	sbr.rel $0x88, $3  }
0x1: {  	(tag) =	ssettag $0x0;
	lr =	simm.s32 $0x1  }
0x2: {  	[smem:$0x3F99] =	sst lr;
	_ =	strace $0xD0000000  }
0x3: {  	_ = 	snop  }
0x4: {  	_ = 	snop  }
0x5: {  	_ = 	snop  }
0x6: {  	_ = 	snop  }
0x7: {  	_ = 	snop  }
__scs_overlays_trampoline_lowered:
0x8: {  	[smem:$0x3FA8] =	sst s0  }
0x9: {  	[smem:$0x3FA9] =	sst s1  }
0xa: {  	[smem:$0x3FAA] =	sst s2  }
0xb: {  	[smem:$0x3FAB] =	sst s3  }
0xc: {  	[smem:$0x3FAC] =	sst s4  }
0xd: {  	[smem:$0x3FAD] =	sst s5  }
0xe: {  	[smem:$0x3FAE] =	sst s6  }
0xf: {  	[smem:$0x3FAF] =	sst s7  }
0x10: {  	[smem:$0x3FB0] =	sst s8  }
0x11: {  	[smem:$0x3FB1] =	sst s9;
	s0 =	simm.s32 @!p0 $0x0  }
0x12: {  	s1 =	sld [smem:$0x3F97];
	s0 =	simm.s32 @p0 $0x1  }
0x13: {  	[smem:$0x3FB2] =	sst s0;
	s0 =	simm.s32 @!p1 $0x0  }
0x14: {  	s2 =	sld [smem:$0x3F96];
	s0 =	simm.s32 @p1 $0x1  }
0x15: {  	[smem:$0x3FB3] =	sst s0;
	s0 =	simm.s32 @!p2 $0x0  }
0x16: {  	s3 =	sld [smem:$0x3FDB];
	s0 =	simm.s32 @p2 $0x1  }
0x17: {  	s4 =	simm.s32 $0x1BF5;
	[smem:$0x3FB5] =	sst s0  }
0x18: {  	s0 =	sld [smem:$0x3F98];
	_ =	swait.ge [sflag:s4], $0x0  }
0x19: {  	s7 =	sld [smem:$0x3F99]  }
0x1a: {  	s8 =	sadd.s32 $0xFFFFE003, lr  }
0x1b: {  	s9 =	sadd.s32 $0xFFFFFEF7, lr;
	s5 =	simm.s32 $0xFFFFFFFF;
	p2 =	slt.u32 s8, $0xFFFFF086  }
0x1c: {  	p1 =	slt.u32 s9, $0xF7A;
	s5 =	simm.s32 @!p2 $0x0  }
0x1d: {  	s5 =	simm.s32 @p1 $0x1;
	p0 =	seq.s32 s7, s2  }
0x1e: {  	s7 =	smul.u32 @!p0 $0xF7A, s2;
	p2 =	seq.s32 @!p0 s5, $0x0  }
0x1f: {  	s9 =	smul.u32 $0xF7A, s1;
	s8 =	simm.s32 @!p0 $0x1BF5;
	p2 =	por !p2, p0  }
0x20: {  	[sflag:s8] =	ssyncset.s32 @!p0 $0xFFFFF086;
	s6 =	sadd.s32 @!p0 s3, s7;
	s7 =	simm.s32 @!p0 $0x108  }
0x21: {  	s3 =	sadd.s32 s3, s9;
	s6 =	sadd.s32 @!p0 $0x88, s6;
	s7 =	simm.s32 @p2 $0x1082  }
0x22: {  	[simem:s7], [sflag:s8] =	dma.local @!p0 [hbm:s6], $0xF7A  }
0x23: {  	s9 =	sor.u32 $0xD0000000, s2;
	s6 =	simm.s32 $0x108;
	_ =	swait.ge @!p0 [sflag:s8], $0x0  }
0x24: {  	s3 =	sadd.s32 $0x88, s3;
	s6 =	simm.s32 @!p1 $0x1082;
	[sflag:s4] =	ssyncset.s32 $0xFFFFF086  }
0x25: {  	[simem:s6], [sflag:s4] =	dma.local [hbm:s3], $0xF7A  }
0x26: {  	[smem:$0x3F99] =	sst s1;
	(tag) =	ssettag s2;
	_ =	strace s9  }
0x27: {  	s1 =	sld [smem:$0x3FA9]  }
0x28: {  	s2 =	sld [smem:$0x3FAA]  }
0x29: {  	s4 =	sld [smem:$0x3FAC]  }
0x2a: {  	p0 =	seq.s32 s5, $0x0;
	s5 =	sld [smem:$0x3FAD]  }
0x2b: {  	s6 =	sld [smem:$0x3FAE]  }
0x2c: {  	s7 =	sld [smem:$0x3FAF]  }
0x2d: {  	s3 =	simm.s32 $0x108;
	s8 =	sld [smem:$0x3FB0]  }
0x2e: {  	s3 =	simm.s32 @!p0 $0x1082;
	s9 =	sld [smem:$0x3FB1]  }
0x2f: {  	lr =	sadd.s32 s0, s3;
	s0 =	sld [smem:$0x3FA8]  }
0x30: {  	s3 =	sld [smem:$0x3FAB]  }
0x31: {  	[smem:$0x3FB4] =	sst s10  }
0x32: {  	s10 =	sld [smem:$0x3FB2];
	_ =	sdelay $0x3  }
0x33: {  	p0 =	seq.s32 s10, $0x1;
	s10 =	sld [smem:$0x3FB4];
	_ =	sdelay $0x3  }
0x34: {  	[smem:$0x3FB4] =	sst s10  }
0x35: {  	s10 =	sld [smem:$0x3FB3];
	_ =	sdelay $0x3  }
0x36: {  	p1 =	seq.s32 s10, $0x1;
	s10 =	sld [smem:$0x3FB4];
	_ =	sdelay $0x3  }
0x37: {  	[smem:$0x3FB4] =	sst s10  }
0x38: {  	s10 =	sld [smem:$0x3FB5]  }
0x39: {  	_ = 	snop;
	(pc) =	sbr.ind lr, $3  }
0x3a: {  	_ = 	snop  }
0x3b: {  	_ = 	snop  }
0x3c: {  	p2 =	seq.s32 s10, $0x1;
	s10 =	sld [smem:$0x3FB4]  }
0x3d: {  	_ =	shalt  }
0x3e: {  	_ =	shalt  }
0x3f: {  	_ =	shalt  }
0x40: {  	_ =	shalt  }
0x41: {  	_ =	shalt  }
0x42: {  	_ =	shalt  }
0x43: {  	_ =	shalt  }
0x44: {  	_ =	shalt  }
0x45: {  	_ =	shalt  }
0x46: {  	_ =	shalt  }
0x47: {  	_ =	shalt  }
0x48: {  	_ =	shalt  }
0x49: {  	_ =	shalt  }
0x4a: {  	_ =	shalt  }
0x4b: {  	_ =	shalt  }
0x4c: {  	_ =	shalt  }
0x4d: {  	_ =	shalt  }
0x4e: {  	_ =	shalt  }
0x4f: {  	_ =	shalt  }
0x50: {  	_ =	shalt  }
0x51: {  	_ =	shalt  }
0x52: {  	_ =	shalt  }
0x53: {  	_ =	shalt  }
0x54: {  	_ =	shalt  }
0x55: {  	_ =	shalt  }
0x56: {  	_ =	shalt  }
0x57: {  	_ =	shalt  }
0x58: {  	_ =	shalt  }
0x59: {  	_ =	shalt  }
0x5a: {  	_ =	shalt  }
0x5b: {  	_ =	shalt  }
0x5c: {  	_ =	shalt  }
0x5d: {  	_ =	shalt  }
0x5e: {  	_ =	shalt  }
0x5f: {  	_ =	shalt  }
0x60: {  	_ =	shalt  }
0x61: {  	_ =	shalt  }
0x62: {  	_ =	shalt  }
0x63: {  	_ =	shalt  }
0x64: {  	_ =	shalt  }
0x65: {  	_ =	shalt  }
0x66: {  	_ =	shalt  }
0x67: {  	_ =	shalt  }
0x68: {  	_ =	shalt  }
0x69: {  	_ =	shalt  }
0x6a: {  	_ =	shalt  }
0x6b: {  	_ =	shalt  }
0x6c: {  	_ =	shalt  }
0x6d: {  	_ =	shalt  }
0x6e: {  	_ =	shalt  }
0x6f: {  	_ =	shalt  }
0x70: {  	_ =	shalt  }
0x71: {  	_ =	shalt  }
0x72: {  	_ =	shalt  }
0x73: {  	_ =	shalt  }
0x74: {  	_ =	shalt  }
0x75: {  	_ =	shalt  }
0x76: {  	_ =	shalt  }
0x77: {  	_ =	shalt  }
0x78: {  	_ =	shalt  }
0x79: {  	_ =	shalt  }
0x7a: {  	_ =	shalt  }
0x7b: {  	_ =	shalt  }
0x7c: {  	_ =	shalt  }
0x7d: {  	_ =	shalt  }
0x7e: {  	_ =	shalt  }
0x7f: {  	_ =	shalt  }
0x80: {  	_ =	shalt  }
0x81: {  	_ =	shalt  }
0x82: {  	_ =	shalt  }
0x83: {  	_ =	shalt  }
0x84: {  	_ =	shalt  }
0x85: {  	_ =	shalt  }
0x86: {  	_ =	shalt  }
0x87: {  	_ =	shalt  }
.Lfunc_end0:
.L_simem_size_0:
called_computation_lowered:
.L_overlay_start_0:
0x88: {  	s2 =	sld [smem:$0x3FD9]  }
0x89: {  	s3 =	sld [smem:$0x3FFE];
	_ =	sdelay $0x1  }
0x8a: {  	s1 =	srdreg.scid  }
0x8b: {  	s0 =	sand.u32 $0x1, s1  }
0x8c: {  	s17 =	sshll.u32 s0, $0xA;
	s2 =	sadd.s32 s3, s2  }
0x8d: {  	s2 =	sadd.s32 s2, s17  }
0x8e: {  	[smem:$0x3FC0] =	sst s2  }
0x8f: {  	_ = 	snop  }
0x90: {  	s2 =	sld [smem:$0x3FD0];
	(tm) =	ssettm $0x1  }
0x91: {  	s18 =	sld [smem:$0x3FFB];
	_ =	sdelay $0x3  }
0x92: {  	_ =	strace s18  }
0x93: {  	s3 =	sld [smem:$0x3FFC];
	_ =	sdelay $0x3  }
0x94: {  	_ =	strace s3  }
0x95: {  	s3 =	sld [smem:$0x3FFD];
	_ =	sdelay $0x3  }
0x96: {  	_ =	strace s3  }
0x97: {  	_ =	strace $0x8FFFFFFF  }
0x98: {  	s19 =	sld [smem:$0x3FDB];
	_ =	sdelay $0x1  }
0x99: {  	s4 =	simm.s32 $_scs_section_size  }
0x9a: {  	s5 =	simm.s32 $_size__tile_overlayer_lowered;
	s6 =	simm.s32 $_tile_overlayer_lowered  }
0x9b: {  	s22 =	simm.s32 $0x1BFF;
	s21 =	sshll.u32 s6, $0x1;
	s3 =	sadd.s32 s4, s19  }
0x9c: {  	s7 =	simm.s32 $0x0;
	s20 =	sshll.u32 s5, $0x1;
	s5 =	sadd.s32 s21, s3  }
0x9d: {  	[timem:s7], [sflag:s22] =	dma.local [hbm:s5], s20  }
0x9e: {  	_ =	swait.ge [sflag:s22], s20  }
0x9f: {  	s4 =	ssub.s32 $0x0, s20;
	[sflag:s22] =	ssyncset.done $0x0  }
0xa0: {  	[sflag:s22] =	ssyncadd.s32 s4;
	_ =	sdelay $0x1  }
0xa1: {  	s23 =	simm.s32 $0x1B8B  }
0xa2: {  	_ =	swait.ge [sflag:s23], $0x1  }
0xa3: {  	[sflag:s23] =	ssyncset.done $0x0  }
0xa4: {  	s25 =	simm.s32 $0x1B8E;
	s24 =	sld [smem:$0x3FFE];
	[sflag:s23] =	ssyncadd.s32 $0xFFFFFFFF  }
0xa5: {  	s26 =	simm.s32 $execute0_lowered;
	[smem:$0x3FD2] =	sst s25  }
0xa6: {  	s5 =	sshll.u32 s26, $0x1;
	_ =	strace $0x80000046;
	[dreg:$0x1] =	wrdreg $0xFFFFFFFF  }
0xa7: {  	s28 =	simm.s32 $_size_execute0_lowered;
	s3 =	sadd.s32 s3, s5;
	[dreg:$0x0] =	wrdreg $0x0  }
0xa8: {  	s5 =	sshll.u32 s28, $0x1;
	[dreg:$0x2] =	wrdreg s3  }
0xa9: {  	[dreg:$0x3] =	wrdreg s5  }
0xaa: {  	[dreg:$0x4] =	wrdreg $0xC0  }
0xab: {  	_ =	task [dreg:s7], $0x5FFFF  }
0xac: {  	[dreg:$0x1] =	wrdreg $0xFFFFFFFF  }
0xad: {  	[dreg:$0x0] =	wrdreg $0x60  }
0xae: {  	[dreg:$0x2] =	wrdreg s24  }
0xaf: {  	[dreg:$0x3] =	wrdreg s2  }
0xb0: {  	[dreg:$0x4] =	wrdreg $0x79000  }
0xb1: {  	[dreg:$0x5] =	wrdreg $0x9  }
0xb2: {  	_ =	task.clear_ibuf [dreg:s7], $0x6FFFF;
	_ =	strace $0x90000046  }
0xb3: {  	s29 =	simm.s32 $0x9;
	_ =	strace $0x80000048  }
0xb4: {  	_ =	swait.ge [sflag:s29], $0x1  }
0xb5: {  	[sflag:s29] =	ssyncadd.s32 $0xFFFFFFFF  }
0xb6: {  	_ =	strace $0x90000048  }
0xb7: {  	_ =	sfence  }
0xb8: {  	s30 =	sld [smem:$0x0];
	_ =	sdelay $0x2  }
0xb9: {  	s31 =	sshll.u32 s1, $0xD;
	s1 =	sshrl.u32 s1, $0x2  }
0xba: {  	s3 =	sand.u32 $0x4000, s31;
	s1 =	sadd.s32 s1, s30  }
0xbb: {  	s0 =	sor.u32 s3, s0;
	s1 =	sshll.u32 s1, $0x11  }
0xbc: {  	s0 =	sor.u32 s1, s0  }
0xbd: {  	s0 =	sadd.s32 $0x8F2B, s0  }
0xbe: {  	[sflag:s0] =	ssyncadd.remote.s32 $0x1  }
0xbf: {  	_ =	sfence.sel $0xFFFF  }
0xc0: {  	[dreg:$0x0] =	wrdreg $0xFFFFFFFF;
	(pc) =	sbr.abs _section_cstart, $3  }
0xc1: {  	[dreg:$0x1] =	wrdreg $0xFFFFFFFF  }
0xc2: {  	_ =	task.clear_ibuf [dreg:s7], $0x2FFFF;
	_ =	strace $0x9FFFFFFF  }
0xc3: {  	(tm) =	ssettm $0x7FFFFFFF  }
tec
execute0_lowered:
.L_overlay_start_1:
0x0: {  	(tag) =	ssettag $0x1  }
0x1: {  	s0 =	rddreg [dreg:$0x0]  }
0x2: {  	s1 =	rddreg [dreg:$0x1]  }
0x3: {  	s2 =	rddreg [dreg:$0x2];
	s3 =	simm.s32 $0x0  }
0x4: {  	s5 =	srdreg.scid;
	s25 =	stileid.u32;
	p1 =	por $0x0, $0x0  }
0x5: {  	s29 =	simm.s32 $0x100;
	s30 =	simm.s32 $0x3;
	[smem:$0x7FF] =	sst s3  }
0x6: {  	s31 =	simm.s32 $0x80;
	s4 =	sadd.s32 $0x51EA00, s0;
	s6 =	sadd.s32 $0x4ED800, s0  }
0x7: {  	s7 =	sadd.s32 $0x4E3A00, s0;
	s5 =	sand.u32 $0x1, s5;
	s8 =	sadd.s32 $0x4F7600, s0  }
0x8: {  	s23 =	sshll.u32 s25, $0x3;
	s12 =	smul.u32 $0x50000, s25;
	p0 =	seq.s32 s25, $0xF  }
0x9: {  	_ =	strace $0x80000047;
	s9 =	smul.u32 $0x27100, s5;
	s10 =	sshll.u32 s5, $0x4  }
0xa: {  	s5 =	ssub.s32 $0x2, s5;
	s26 =	sor.u32 $0x1, s23;
	s18 =	sor.u32 $0x2, s23  }
0xb: {  	s20 =	sor.u32 $0x3, s23;
	s21 =	sor.u32 $0x4, s23;
	s13 =	smul.u32 $0xA000, s26  }
0xc: {  	s22 =	sor.u32 $0x5, s23;
	s14 =	sor.u32 $0x6, s23;
	s19 =	smul.u32 $0xA000, s18  }
0xd: {  	s10 =	sor.u32 s25, s10;
	s11 =	sshrl.u32 s5, $0x1;
	s16 =	smul.u32 $0xA000, s20  }
0xe: {  	s17 =	sshrl.u32 s12, $0x2;
	s0 =	sadd.s32 s9, s0;
	s9 =	smul.u32 $0x2710, s10  }
0xf: {  	p5 =	slt.u32 s14, $0x7D;
	s12 =	sadd.s32 s17, s2;
	s17 =	smul.u32 $0xA000, s21  }
0x10: {  	p2 =	sgt.u32 @!p0 s14, $0x7C;
	s5 =	ssub.s32 s5, s11;
	s11 =	smul.u32 $0xA000, s14  }
0x11: {  	s21 =	smul.u32 $0x500, s21;
	p2 =	por p2, p0;
	s14 =	simm.s32 @p0 $0x7E  }
0x12: {  	p1 =	por @!p0 p5, p5;
	s10 =	sadd.s32 $0x1A00, s0;
	s24 =	smax.u32 s5, $0x1  }
0x13: {  	s13 =	sshrl.u32 s13, $0x2;
	s5 =	sshrl.u32 s19, $0x2;
	s19 =	smul.u32 $0xA000, s22  }
0x14: {  	s23 =	sshrl.u32 s16, $0x2;
	s0 =	smul.u32 $0x500, s26;
	[dreg:$0x4] =	wrdreg s24  }
0x15: {  	s13 =	sadd.s32 s13, s2;
	s15 =	sadd.s32 s5, s2;
	s16 =	sadd.s32 s23, s2  }
0x16: {  	s24 =	sshrl.u32 s17, $0x2;
	s17 =	sshllo.u32 s25, $0x3;
	s23 =	smul.u32 $0x500, s18  }
0x17: {  	s11 =	sshrl.u32 s11, $0x2;
	s19 =	sshrl.u32 s19, $0x2;
	s26 =	smul.u32 $0xA000, s17  }
0x18: {  	s18 =	sadd.s32 s24, s2;
	s24 =	smul.u32 $0x2800, s25;
	s11 =	sadd.s32 s11, s2  }
0x19: {  	s0 =	sadd.s32 s10, s0;
	p4 =	sgt.u32 @!p0 s17, $0x7C;
	s17 =	simm.s32 @p0 $0x7F  }
0x1a: {  	s19 =	sadd.s32 s19, s2;
	[dreg:$0x5] =	wrdreg s11;
	s11 =	smul.u32 $0x500, s20  }
0x1b: {  	[dreg:$0x8] =	wrdreg s0;
	p3 =	por p4, p0;
	s20 =	sadd.s32 s10, s24  }
0x1c: {  	s5 =	sshrl.u32 s26, $0x2;
	s24 =	sadd.s32 s10, s23;
	[dreg:$0x7] =	wrdreg s20  }
0x1d: {  	p4 =	por !p4, p0;
	s5 =	sadd.s32 s5, s2;
	[dreg:$0x9] =	wrdreg s24  }
0x1e: {  	s26 =	smul.u32 $0x500, s22;
	s11 =	sadd.s32 s10, s11;
	[dreg:$0x6] =	wrdreg s5  }
0x1f: {  	s0 =	simm.s32 $0x50;
	s20 =	simm.s32 $0x1;
	[dreg:$0xa] =	wrdreg s11  }
0x20: {  	s5 =	sadd.s32 s10, s21;
	s28 =	sadd.s32 s10, s26;
	s11 =	simm.s32 $0x5100  }
0x21: {  	v0 =	vimm.f32 $0.0e+00;
	s21 =	simm.s32 $0x2;
	[dreg:$0xb] =	wrdreg s5;
	s5 =	simm.s32 $0x2900  }
.LBB2_1:
0x22: {  	s22 =	simm.s32 $0x0;
	s23 =	simm.s32 $0x200  }
.LBB2_2:
0x23: {  	p5 =	sne.s32 s23, $0x9E00;
	[tilespmem:s22+$0x170] =	vst v0  }
0x24: {  	[tilespmem:s22+$0x100] =	vst v0  }
0x25: {  	[tilespmem:s22+$0x110] =	vst v0  }
.Ltmp0:
0x26: {  	[tilespmem:s22+$0x120] =	vst v0;
	(pc) =	sbr.rel @p5 .LBB2_2-.Ltmp0, $4  }
0x27: {  	[tilespmem:s22+$0x130] =	vst v0  }
0x28: {  	[tilespmem:s22+$0x140] =	vst v0  }
0x29: {  	[tilespmem:s22+$0x150] =	vst v0  }
0x2a: {  	[tilespmem:s22+$0x160] =	vst v0;
	s22 =	sshra.s32 s23, $0x2;
	s23 =	sadd.s32 $0x200, s23  }
0x2b: {  	[tilespmem:s22+$0x170] =	vst v0  }
0x2c: {  	[tilespmem:s22+$0x100] =	vst v0  }
0x2d: {  	[tilespmem:s22+$0x110] =	vst v0  }
0x2e: {  	[tilespmem:s22+$0x120] =	vst v0  }
0x2f: {  	[tilespmem:s22+$0x130] =	vst v0  }
0x30: {  	[tilespmem:s22+$0x140] =	vst v0  }
0x31: {  	[tilespmem:s22+$0x150] =	vst v0  }
0x32: {  	[tilespmem:s22+$0x160] =	vst v0  }
0x33: {  	[spmem:s12] =	stream.linear.scatter [tilespmem:s29], [sflag:$0x3], $0x2800, $0x38;
	[tilespmem:$0x1B180] =	vst v63  }
0x34: {  	_ =	swait.ge [sflag:s30], $0x2800  }
0x35: {  	[sflag:s30] =	ssyncset.done $0x0  }
0x36: {  	[sflag:s30] =	ssyncadd.s32 $0xFFFFD800  }
0x37: {  	[spmem:s13] =	stream.linear.scatter [tilespmem:s29], [sflag:$0x3], $0x2800, $0x38;
	[tilespmem:$0x1B180] =	vst v63  }
0x38: {  	_ =	swait.ge [sflag:s30], $0x2800  }
0x39: {  	[sflag:s30] =	ssyncset.done $0x0  }
0x3a: {  	[sflag:s30] =	ssyncadd.s32 $0xFFFFD800  }
0x3b: {  	[spmem:s15] =	stream.linear.scatter [tilespmem:s29], [sflag:$0x3], $0x2800, $0x38;
	[tilespmem:$0x1B180] =	vst v63  }
0x3c: {  	_ =	swait.ge [sflag:s30], $0x2800  }
0x3d: {  	[sflag:s30] =	ssyncset.done $0x0  }
0x3e: {  	[sflag:s30] =	ssyncadd.s32 $0xFFFFD800  }
0x3f: {  	[spmem:s16] =	stream.linear.scatter [tilespmem:s29], [sflag:$0x3], $0x2800, $0x38;
	[tilespmem:$0x1B180] =	vst v63  }
0x40: {  	_ =	swait.ge [sflag:s30], $0x2800  }
0x41: {  	[sflag:s30] =	ssyncset.done $0x0  }
0x42: {  	[sflag:s30] =	ssyncadd.s32 $0xFFFFD800  }
0x43: {  	[spmem:s18] =	stream.linear.scatter [tilespmem:s29], [sflag:$0x3], $0x2800, $0x38;
	[tilespmem:$0x1B180] =	vst v63  }
0x44: {  	_ =	swait.ge [sflag:s30], $0x2800  }
0x45: {  	[sflag:s30] =	ssyncset.done $0x0  }
0x46: {  	s22 =	simm.s32 @!p0 $0x100;
	[sflag:s30] =	ssyncadd.s32 $0xFFFFD800  }
0x47: {  	[spmem:s19] =	stream.linear.scatter @!p0 [tilespmem:s22], [sflag:$0x3], $0x2800, $0x38;
	[tilespmem:$0x1B180] =	vst v63  }
0x48: {  	s22 =	simm.s32 @!p0 $0x3  }
0x49: {  	_ =	swait.ge @!p0 [sflag:s22], $0x2800  }
0x4a: {  	[sflag:s22] =	ssyncset.done @!p0 $0x0  }
0x4b: {  	s23 =	rddreg [dreg:$0x5];
	[sflag:s22] =	ssyncadd.s32 @!p0 $0xFFFFD800;
	s22 =	simm.s32 @!p2 $0x100  }
0x4c: {  	[spmem:s23] =	stream.linear.scatter @!p2 [tilespmem:s22], [sflag:$0x3], $0x2800, $0x38;
	[tilespmem:$0x1B180] =	vst v63  }
0x4d: {  	s22 =	simm.s32 @!p2 $0x3  }
0x4e: {  	_ =	swait.ge @!p2 [sflag:s22], $0x2800  }
0x4f: {  	[sflag:s22] =	ssyncset.done @!p2 $0x0  }
0x50: {  	s23 =	rddreg [dreg:$0x6];
	[sflag:s22] =	ssyncadd.s32 @!p2 $0xFFFFD800;
	s22 =	simm.s32 @!p3 $0x100  }
0x51: {  	[spmem:s23] =	stream.linear.scatter @!p3 [tilespmem:s22], [sflag:$0x3], $0x2800, $0x38;
	[tilespmem:$0x1B180] =	vst v63  }
0x52: {  	s22 =	simm.s32 @!p3 $0x3  }
0x53: {  	p5 =	por @!p0 $0x0, $0x0;
	p6 =	por @!p3 $0x1, $0x1;
	_ =	swait.ge @!p3 [sflag:s22], $0x2800  }
0x54: {  	p6 =	por @!p4 p5, p5;
	p5 =	por $0x0, $0x0;
	[sflag:s22] =	ssyncset.done @!p3 $0x0  }
0x55: {  	p5 =	por @!p0 p6, p6;
	[sflag:s22] =	ssyncadd.s32 @!p3 $0xFFFFD800  }
0x56: {  	s23 =	simm.s32 $0x0;
	s22 =	simm.s32 $0x0;
	[bflag:$0x0] =	sbarrier.arrive $0xFFFF  }
.LBB2_4:
0x57: {  	s24 =	smul.u32 $0x50, s23;
	_ =	sdelay $0x1  }
0x58: {  	s24 =	sadd.s32 s9, s24  }
0x59: {  	s25 =	sshrl.u32 s24, $0x3  }
0x5a: {  	s26 =	sadd.s32 s6, s25  }
0x5b: {  	[tilespmem:s22], [sflag:$0x3] =	stream.linear.gather [hbm4b:s26+s22], $0x50, $0x38;
	[tilespmem:$0x1B180] =	vst v63  }
0x5c: {  	_ =	swait.ge [sflag:s30], $0x50  }
0x5d: {  	[sflag:s30] =	ssyncset.done $0x0  }
0x5e: {  	s25 =	sadd.s32 s7, s25;
	[sflag:s30] =	ssyncadd.s32 $0xFFFFFFB0  }
0x5f: {  	[tilespmem:s31], [sflag:$0x3] =	stream.linear.gather [hbm4b:s25+s22], $0x50, $0x38;
	[tilespmem:$0x1B180] =	vst v63  }
0x60: {  	_ =	swait.ge [sflag:s30], $0x50  }
0x61: {  	[sflag:s30] =	ssyncset.done $0x0  }
0x62: {  	[sflag:s30] =	ssyncadd.s32 $0xFFFFFFB0  }
0x63: {  	[tilespmem:s5], [sflag:$0x1] =	stream.indirect.gather [hbm4b:s1+s0], $0x80, s22, s0, $0xb8;
	[tilespmem:$0x1B180] =	vst v63  }
0x64: {  	s24 =	sshll.u32 s24, $0x4  }
0x65: {  	[tilespmem:s11], [sflag:$0x2] =	stream.indirect.gather [hbm4b:s8+s0], $0x80, s31, s0, $0xb8;
	[tilespmem:$0x1B180] =	vst v63  }
0x66: {  	s24 =	sadd.s32 s4, s24  }
0x67: {  	[tilespmem:s29], [sflag:$0x3] =	stream.linear.gather [hbm4b:s24+s22], $0x2800, $0x38;
	[tilespmem:$0x1B180] =	vst v63  }
0x68: {  	_ =	swait.ge [sflag:s30], $0x2800  }
0x69: {  	[sflag:s30] =	ssyncset.done $0x0  }
0x6a: {  	[sflag:s30] =	ssyncadd.s32 $0xFFFFD800  }
0x6b: {  	_ =	swait.ge [sflag:s20], $0x2800  }
0x6c: {  	[sflag:s20] =	ssyncset.done $0x0  }
0x6d: {  	[sflag:s20] =	ssyncadd.s32 $0xFFFFD800  }
0x6e: {  	_ =	swait.ge [sflag:s21], $0x2800  }
0x6f: {  	[sflag:s21] =	ssyncset.done $0x0  }
0x70: {  	s24 =	simm.s32 $0x0;
	[sflag:s21] =	ssyncadd.s32 $0xFFFFD800  }
0x71: {  	v5 =	vld [tilespmem:s24+$0x5100]  }
0x72: {  	v6 =	vld [tilespmem:s24+$0x5110]  }
0x73: {  	v4 =	vld [tilespmem:s24+$0x5120]  }
0x74: {  	v3 =	vld [tilespmem:s24+$0x5130]  }
0x75: {  	v2 =	vld [tilespmem:s24+$0x5140]  }
0x76: {  	v1 =	vld [tilespmem:s24+$0x5150]  }
0x77: {  	v13 =	vld [tilespmem:s24+$0x2900]  }
0x78: {  	v18 =	vld [tilespmem:s24+$0x2910]  }
0x79: {  	v12 =	vld [tilespmem:s24+$0x2920]  }
0x7a: {  	v11 =	vld [tilespmem:s24+$0x2930]  }
0x7b: {  	v10 =	vld [tilespmem:s24+$0x2940]  }
0x7c: {  	v9 =	vld [tilespmem:s24+$0x2950]  }
0x7d: {  	v8 =	vld [tilespmem:s24+$0x2960]  }
0x7e: {  	v7 =	vld [tilespmem:s24+$0x2970]  }
0x7f: {  	v19 =	vld [tilespmem:s24+$0x100]  }
0x80: {  	v20 =	vld [tilespmem:s24+$0x110]  }
0x81: {  	v17 =	vld [tilespmem:s24+$0x120]  }
0x82: {  	v16 =	vld [tilespmem:s24+$0x130]  }
0x83: {  	v15 =	vld [tilespmem:s24+$0x140]  }
0x84: {  	v14 =	vld [tilespmem:s24+$0x150];
	v19 =	vadd.f32 v13, v19  }
0x85: {  	s25 =	simm.s32 $0x200;
	v18 =	vadd.f32 v18, v20;
	v13 =	vld [tilespmem:s24+$0x160]  }
.LBB2_5:
0x86: {  	p6 =	sne.s32 s25, $0x9E00;
	v5 =	vadd.f32 v5, v19;
	v12 =	vadd.f32 v12, v17;
	v17 =	vld [tilespmem:s24+$0x170]  }
0x87: {  	v6 =	vadd.f32 v6, v18;
	v11 =	vadd.f32 v11, v16;
	v16 =	vld [tilespmem:s24+$0x5160]  }
0x88: {  	s26 =	sshra.s32 s25, $0x2;
	v18 =	vmax.f32 v5, $0.0e+00;
	v4 =	vadd.f32 v4, v12;
	v10 =	vadd.f32 v10, v15;
	v12 =	vld [tilespmem:s24+$0x5170]  }
0x89: {  	v5 =	vld [tilespmem:s26+$0x5100];
	[tilespmem:s24+$0x100] =	vst v18;
	v15 =	vmax.f32 v6, $0.0e+00;
	v3 =	vadd.f32 v3, v11;
	v9 =	vadd.f32 v9, v14  }
0x8a: {  	v6 =	vld [tilespmem:s26+$0x5110];
	[tilespmem:s24+$0x110] =	vst v15;
	v11 =	vmax.f32 v4, $0.0e+00;
	v2 =	vadd.f32 v2, v10;
	v8 =	vadd.f32 v8, v13  }
0x8b: {  	v4 =	vld [tilespmem:s26+$0x5120];
	[tilespmem:s24+$0x120] =	vst v11;
	v10 =	vmax.f32 v3, $0.0e+00;
	v1 =	vadd.f32 v1, v9;
	v7 =	vadd.f32 v7, v17  }
0x8c: {  	v3 =	vld [tilespmem:s26+$0x5130];
	[tilespmem:s24+$0x130] =	vst v10;
	v9 =	vmax.f32 v2, $0.0e+00;
	v8 =	vadd.f32 v16, v8  }
0x8d: {  	v2 =	vld [tilespmem:s26+$0x5140];
	[tilespmem:s24+$0x140] =	vst v9;
	v9 =	vmax.f32 v1, $0.0e+00;
	v7 =	vadd.f32 v12, v7  }
0x8e: {  	v1 =	vld [tilespmem:s26+$0x5150];
	[tilespmem:s24+$0x150] =	vst v9;
	v8 =	vmax.f32 v8, $0.0e+00  }
0x8f: {  	v13 =	vld [tilespmem:s26+$0x2900];
	[tilespmem:s24+$0x160] =	vst v8;
	v7 =	vmax.f32 v7, $0.0e+00  }
0x90: {  	v18 =	vld [tilespmem:s26+$0x2910];
	[tilespmem:s24+$0x170] =	vst v7;
	s24 =	smov.u32 s26  }
0x91: {  	v12 =	vld [tilespmem:s24+$0x2920]  }
0x92: {  	v11 =	vld [tilespmem:s24+$0x2930]  }
0x93: {  	v10 =	vld [tilespmem:s24+$0x2940]  }
0x94: {  	v9 =	vld [tilespmem:s24+$0x2950]  }
0x95: {  	v8 =	vld [tilespmem:s24+$0x2960]  }
0x96: {  	v7 =	vld [tilespmem:s24+$0x2970]  }
0x97: {  	v14 =	vld [tilespmem:s24+$0x100]  }
0x98: {  	v20 =	vld [tilespmem:s24+$0x110]  }
.Ltmp1:
0x99: {  	v17 =	vld [tilespmem:s24+$0x120];
	(pc) =	sbr.rel @p6 .LBB2_5-.Ltmp1, $4  }
0x9a: {  	v16 =	vld [tilespmem:s24+$0x130]  }
0x9b: {  	v15 =	vld [tilespmem:s24+$0x140]  }
0x9c: {  	v19 =	vadd.f32 v13, v14;
	v14 =	vld [tilespmem:s24+$0x150]  }
0x9d: {  	s25 =	sadd.s32 $0x200, s25;
	v18 =	vadd.f32 v18, v20;
	v13 =	vld [tilespmem:s24+$0x160]  }
0x9e: {  	v5 =	vadd.f32 v5, v19;
	v12 =	vadd.f32 v12, v17;
	v57 =	vld [tilespmem:s24+$0x170]  }
0x9f: {  	v58 =	vld [tilespmem:s24+$0x5160];
	v6 =	vadd.f32 v6, v18;
	v11 =	vadd.f32 v11, v16  }
0xa0: {  	v59 =	vld [tilespmem:s24+$0x5170];
	v5 =	vmax.f32 v5, $0.0e+00;
	v4 =	vadd.f32 v4, v12;
	v10 =	vadd.f32 v10, v15  }
0xa1: {  	[tilespmem:s24+$0x100] =	vst v5;
	v60 =	vmax.f32 v6, $0.0e+00;
	v3 =	vadd.f32 v3, v11;
	v61 =	vadd.f32 v9, v14  }
0xa2: {  	[tilespmem:s24+$0x110] =	vst v60;
	v4 =	vmax.f32 v4, $0.0e+00;
	v2 =	vadd.f32 v2, v10;
	v62 =	vadd.f32 v8, v13  }
0xa3: {  	[tilespmem:s24+$0x120] =	vst v4;
	v3 =	vmax.f32 v3, $0.0e+00;
	v1 =	vadd.f32 v1, v61;
	v63 =	vadd.f32 v7, v57  }
0xa4: {  	[tilespmem:s24+$0x130] =	vst v3;
	v2 =	vmax.f32 v2, $0.0e+00;
	v3 =	vadd.f32 v58, v62  }
0xa5: {  	[tilespmem:s24+$0x140] =	vst v2;
	v1 =	vmax.f32 v1, $0.0e+00;
	v2 =	vadd.f32 v59, v63  }
0xa6: {  	s23 =	sadd.s32 $0x1, s23;
	[tilespmem:s24+$0x150] =	vst v1;
	v1 =	vmax.f32 v3, $0.0e+00  }
0xa7: {  	p6 =	sne.s32 s23, $0x7D;
	[tilespmem:s24+$0x160] =	vst v1;
	v1 =	vmax.f32 v2, $0.0e+00  }
.Ltmp2:
0xa8: {  	[tilespmem:s24+$0x170] =	vst v1;
	(pc) =	sbr.rel @p6 .LBB2_4-.Ltmp2, $4  }
0xa9: {  	[spmem:s2] =	stream.indirect.scatter.add.f32 [tilespmem:s29], [sflag:$0x3], $0x80, s31, s0, $0xb8;
	[tilespmem:$0x1B180] =	vst v63  }
0xaa: {  	_ =	swait.ge [sflag:s30], $0x2800  }
0xab: {  	[sflag:s30] =	ssyncset.done $0x0  }
0xac: {  	[sflag:s30] =	ssyncadd.s32 $0xFFFFD800  }
0xad: {  	s22 =	stileid.u32  }
0xae: {  	[bflag:$0x0] =	sbarrier.arrive $0xFFFF;
	s22 =	sshll.u32 s22, $0x6  }
0xaf: {  	s23 =	sshrl.u32 s12, $0x3;
	s24 =	rddreg [dreg:$0x7];
	s22 =	sor.u32 $0x1C03, s22  }
0xb0: {  	[hbm:s24], [sflag:s22] =	dma.local [spmem:s23], $0x500  }
0xb1: {  	_ =	swait.ge [sflag:s30], $0x500  }
0xb2: {  	[sflag:s30] =	ssyncset.done $0x0  }
0xb3: {  	s25 =	sshrl.u32 s13, $0x3;
	s26 =	rddreg [dreg:$0x8];
	[sflag:s30] =	ssyncadd.s32 $0xFFFFFB00  }
0xb4: {  	[hbm:s26], [sflag:s22] =	dma.local [spmem:s25], $0x500  }
0xb5: {  	_ =	swait.ge [sflag:s30], $0x500  }
0xb6: {  	[sflag:s30] =	ssyncset.done $0x0  }
0xb7: {  	s25 =	sshrl.u32 s15, $0x3;
	s26 =	rddreg [dreg:$0x9];
	[sflag:s30] =	ssyncadd.s32 $0xFFFFFB00  }
0xb8: {  	[hbm:s26], [sflag:s22] =	dma.local [spmem:s25], $0x500  }
0xb9: {  	_ =	swait.ge [sflag:s30], $0x500  }
0xba: {  	[sflag:s30] =	ssyncset.done $0x0  }
0xbb: {  	s25 =	sshrl.u32 s16, $0x3;
	s26 =	rddreg [dreg:$0xa];
	[sflag:s30] =	ssyncadd.s32 $0xFFFFFB00  }
0xbc: {  	[hbm:s26], [sflag:s22] =	dma.local [spmem:s25], $0x500  }
0xbd: {  	_ =	swait.ge [sflag:s30], $0x500  }
0xbe: {  	[sflag:s30] =	ssyncset.done $0x0  }
0xbf: {  	s24 =	sshrl.u32 s18, $0x3;
	s25 =	rddreg [dreg:$0xb];
	[sflag:s30] =	ssyncadd.s32 $0xFFFFFB00  }
0xc0: {  	[hbm:s25], [sflag:s22] =	dma.local [spmem:s24], $0x500  }
0xc1: {  	_ =	swait.ge [sflag:s30], $0x500  }
0xc2: {  	[sflag:s30] =	ssyncset.done $0x0  }
0xc3: {  	s23 =	sshrl.u32 @!p0 s19, $0x3;
	[sflag:s30] =	ssyncadd.s32 $0xFFFFFB00  }
0xc4: {  	[hbm:s28], [sflag:s22] =	dma.local @!p0 [spmem:s23], $0x500  }
0xc5: {  	s23 =	smul.u32 @p1 $0xA000, s14  }
0xc6: {  	s24 =	simm.s32 @!p0 $0x3  }
0xc7: {  	s25 =	smul.u32 @p1 $0x500, s14;
	_ =	swait.ge @!p0 [sflag:s24], $0x500;
	s23 =	sshrl.u32 @p1 s23, $0x2  }
0xc8: {  	[sflag:s24] =	ssyncset.done @!p0 $0x0;
	s23 =	sadd.s32 @p1 s23, s2  }
0xc9: {  	[sflag:s24] =	ssyncadd.s32 @!p0 $0xFFFFFB00;
	s24 =	sadd.s32 @p1 s10, s25;
	s23 =	sshrl.u32 @p1 s23, $0x3  }
0xca: {  	[hbm:s24], [sflag:s22] =	dma.local @p1 [spmem:s23], $0x500  }
0xcb: {  	s23 =	smul.u32 @p5 $0xA000, s17  }
0xcc: {  	s24 =	simm.s32 @p1 $0x3  }
0xcd: {  	s25 =	smul.u32 @p5 $0x500, s17;
	_ =	swait.ge @p1 [sflag:s24], $0x500;
	s23 =	sshrl.u32 @p5 s23, $0x2  }
0xce: {  	[sflag:s24] =	ssyncset.done @p1 $0x0;
	s23 =	sadd.s32 @p5 s23, s2  }
0xcf: {  	[sflag:s24] =	ssyncadd.s32 @p1 $0xFFFFFB00;
	s24 =	sadd.s32 @p5 s10, s25;
	s23 =	sshrl.u32 @p5 s23, $0x3  }
0xd0: {  	[hbm:s24], [sflag:s22] =	dma.local @p5 [spmem:s23], $0x500  }
0xd1: {  	s22 =	simm.s32 @p5 $0x3  }
0xd2: {  	_ =	swait.ge @p5 [sflag:s22], $0x500  }
0xd3: {  	s3 =	sadd.s32 $0x1, s3;
	s26 =	rddreg [dreg:$0x4]  }
0xd4: {  	p6 =	sne.s32 s3, s26  }
.Ltmp3:
0xd5: {  	_ = 	snop;
	(pc) =	sbr.rel @p6 .LBB2_1-.Ltmp3, $3  }
0xd6: {  	_ =	sdelay $0x1  }
0xd7: {  	[sflag:s22] =	ssyncset.done @p5 $0x0  }
0xd8: {  	[sflag:s22] =	ssyncadd.s32 @p5 $0xFFFFFB00  }
0xd9: {  	_ =	sfence.sel $0x180000  }
0xda: {  	[bflag:$0x0] =	sbarrier.arrive $0xFFFF  }
0xdb: {  	_ =	strace $0x90000047  }
0xdc: {  	s0 =	stileid.u32;
	[bflag:$0x2] =	sbarrier.arrive $0xFFFF  }
0xdd: {  	p0 =	sne.s32 s0, $0x0;
	s0 =	rddreg [dreg:$0x3]  }
0xde: {  	s0 =	sadd.s32 @!p0 $0x100000, s0  }
0xdf: {  	[sflag:s0] =	ssyncadd.tile.s32 @!p0 $0x1;
	_ =	shalt  }
.Lfunc_end2:
_tile_overlayer_lowered:
.L_overlay_start_2:
0xe0: {  	(tag) =	ssettag $0x2  }
0xe1: {  	s0 =	rddreg [dreg:$0x0];
	s2 =	stileid.u32  }
0xe2: {  	s1 =	rddreg [dreg:$0x1];
	p0 =	sne.s32 s2, $0x0  }
0xe3: {  	s3 =	rddreg [dreg:$0x2];
	[bflag:$0x3] =	sbarrier.arrive $0xFFFF;
	s2 =	simm.s32 @!p0 $0x1C03  }
0xe4: {  	[timem:s3], [sflag:s2] =	dma.local @!p0 [hbm:s0], s1  }
0xe5: {  	s0 =	simm.s32 @!p0 $0x3  }
0xe6: {  	_ =	swait.ge @!p0 [sflag:s0], s1  }
0xe7: {  	s1 =	ssub.s32 @!p0 $0x0, s1;
	[sflag:s0] =	ssyncset.done @!p0 $0x0  }
0xe8: {  	[sflag:s0] =	ssyncadd.s32 @!p0 s1  }
0xe9: {  	[bflag:$0x3] =	sbarrier.arrive $0xFFFF  }
0xea: {  	_ =	shalt  }

</sc_bundles>
